<compile_context>
chip_gen: v7x
topology: tpu7x:2x2x1
jax: 0.10.2.dev20260603
libtpu: 0.0.44.dev20260713+nightly
codegen_flags: <defaults>
</compile_context>

<pallas_src>
import functools

import jax
import jax.numpy as jnp
from jax import lax
from jax.experimental import pallas as pl
from jax.experimental.pallas import tpu as pltpu
from jax.experimental.pallas import tpu_sc as plsc

NW = 32
CH = 32768
NCH = 38
TOT = 8 * 19 * 512 * 512

mesh = plsc.VectorSubcoreMesh(core_axis_name="c", subcore_axis_name="s")


@functools.partial(
    pl.kernel, mesh=mesh,
    out_type=jax.ShapeDtypeStruct((NW, 16), jnp.float32),
    scratch_types=[
        pltpu.VMEM((CH,), jnp.float32),
        pltpu.VMEM((CH,), jnp.float32),
        pltpu.VMEM((16,), jnp.float32),
        pltpu.SemaphoreType.DMA,
        pltpu.SemaphoreType.DMA,
    ],
)
def _sc_sum(x_hbm, out_hbm, bufa, bufb, accv, sema, semb):
    wid = lax.axis_index("s") * 2 + lax.axis_index("c")
    base = wid * (CH * NCH)
    bufs = [bufa, bufb]
    sems = [sema, semb]
    copies = [None, None]
    copies[0] = pltpu.async_copy(x_hbm.at[pl.ds(base, CH)], bufa, sema)
    acc = jnp.zeros((16,), jnp.float32)
    for k in range(NCH):
        nxt = (k + 1) % 2
        cur = k % 2
        if k + 1 < NCH:
            copies[nxt] = pltpu.async_copy(
                x_hbm.at[pl.ds(base + (k + 1) * CH, CH)], bufs[nxt], sems[nxt])
        copies[cur].wait()
        buf = bufs[cur]

        def body(i, a):
            return a + buf[pl.ds(i * 16, 16)]

        acc = lax.fori_loop(0, CH // 16, body, acc)
    accv[...] = acc
    pltpu.sync_copy(accv, out_hbm.at[wid])


def kernel(logits, labels):
    x = logits.reshape(TOT)
    parts = _sc_sum(x)
    return jnp.sum(parts)

# --- scband reference (transcript-rebuilt; emitter-appended) ---
"""Pipeline reference for scband-ohem-celoss-66718021976386 (READ-ONLY COPY).

The authoritative reference and input builder live on the scoring server;
editing this copy changes nothing except your own understanding.
"""

import jax, jax.numpy as jnp
import numpy as np

THRESH_P = 0.7
LB_IGNORE = 255
NUM_CLASSES = 19


def setup_inputs(seed: int = 0) -> dict:
    key = jax.random.key(seed)
    k1, k2 = jax.random.split(key)
    logits = jax.random.normal(k1, (8, NUM_CLASSES, 512, 512), dtype=jnp.float32)
    labels = jax.random.randint(k2, (8, 512, 512), 0, NUM_CLASSES, dtype=jnp.int64)
    return {"logits": logits, "labels": labels}


def reference(logits, labels):
    thresh = -jnp.log(jnp.asarray(THRESH_P, dtype=jnp.float32))
    n_min = jnp.sum(labels != LB_IGNORE) // 16
    ls = jax.nn.log_softmax(logits, axis=1)
    # one_hot: [N, H, W, C] -> permute to [N, C, H, W]
    mask = jax.nn.one_hot(labels, logits.shape[1], dtype=jnp.float32)
    mask = jnp.transpose(mask, (0, 3, 1, 2))
    loss = -mask * ls
    loss = jnp.sum(loss, axis=1)
    loss = loss.reshape(-1)
    # hard-example selection (fixed-shape masked form)
    sel = loss > thresh
    n_hard = jnp.sum(sel)
    mean_hard = jnp.sum(jnp.where(sel, loss, jnp.asarray(0.0, dtype=loss.dtype))) / n_hard
    sorted_desc = jnp.sort(loss)[::-1]
    topk_mask = jnp.arange(loss.shape[0]) < n_min
    mean_topk = jnp.sum(jnp.where(topk_mask, sorted_desc, jnp.asarray(0.0, dtype=loss.dtype))) / n_min
    return jnp.where(n_hard < n_min, mean_topk, mean_hard)

if __name__ == "__main__":
    import jax
    _d = setup_inputs()
    print(jax.jit(kernel)(*tuple(_d.values())))

</pallas_src>

<mosaic_0001>
#map = affine_map<(d0, d1) -> (0)>
#map1 = affine_map<(d0, d1) -> (0, 0)>
module attributes {stable_mosaic.version = 14 : i64} {
  func.func @_sc_sum(%arg0: i32, %arg1: i32, %arg2: memref<39845888xf32, #tpu.memory_space<hbm>>, %arg3: memref<32x16xf32, #tpu.memory_space<hbm>>, %arg4: memref<32768xf32, #tpu.memory_space<vmem>>, %arg5: memref<32768xf32, #tpu.memory_space<vmem>>, %arg6: memref<16xf32, #tpu.memory_space<vmem>>, %arg7: memref<!tpu.dma_semaphore, #tpu.memory_space<semaphore_mem>>, %arg8: memref<!tpu.dma_semaphore, #tpu.memory_space<semaphore_mem>>) attributes {dimension_semantics = [#tpu.dimension_semantics<core_parallel>, #tpu.dimension_semantics<subcore_parallel>], iteration_bounds = array<i64: 2, 16>, scalar_prefetch = 0 : i64, scratch_operands = 5 : i64, tpu.core_type = #tpu.core_type<sc_vector_subcore>, window_params = [{transform_indices = #map}, {transform_indices = #map1}]} {
    %mul3A = arith.constant 2 : i32
    %mul3A_0 = arith.muli %arg1, %mul3A : i32
    %add3A = arith.addi %mul3A_0, %arg0 : i32
    %mul3A_1 = arith.constant 1245184 : i32
    %mul3A_2 = arith.muli %add3A, %mul3A_1 : i32
    %dma_start3A = tpu.memref_slice %arg2[%mul3A_2] : memref<39845888xf32, #tpu.memory_space<hbm>> -> memref<32768xf32, #tpu.memory_space<hbm>>
    %dma_start3A_3 = tpu.memref_slice %arg2[%mul3A_2] : memref<39845888xf32, #tpu.memory_space<hbm>> -> memref<32768xf32, #tpu.memory_space<hbm>>
    tpu.enqueue_dma source(%dma_start3A_3 : memref<32768xf32, #tpu.memory_space<hbm>>) target(%arg4 : memref<32768xf32, #tpu.memory_space<vmem>>) target_semaphore(%arg7 : memref<!tpu.dma_semaphore, #tpu.memory_space<semaphore_mem>>)
    %broadcast_in_dim3A = arith.constant 0.000000e+00 : f32
    %broadcast_in_dim3A_4 = vector.broadcast %broadcast_in_dim3A : f32 to vector<16xf32>
    %add3A_5 = arith.constant 32768 : i32
    %add3A_6 = arith.addi %mul3A_2, %add3A_5 : i32
    %dma_start3A_7 = tpu.memref_slice %arg2[%add3A_6] : memref<39845888xf32, #tpu.memory_space<hbm>> -> memref<32768xf32, #tpu.memory_space<hbm>>
    %dma_start3A_8 = tpu.memref_slice %arg2[%add3A_6] : memref<39845888xf32, #tpu.memory_space<hbm>> -> memref<32768xf32, #tpu.memory_space<hbm>>
    tpu.enqueue_dma source(%dma_start3A_8 : memref<32768xf32, #tpu.memory_space<hbm>>) target(%arg5 : memref<32768xf32, #tpu.memory_space<vmem>>) target_semaphore(%arg8 : memref<!tpu.dma_semaphore, #tpu.memory_space<semaphore_mem>>)
    %dma_wait3A = tpu.memref_slice %arg2[%mul3A_2] : memref<39845888xf32, #tpu.memory_space<hbm>> -> memref<32768xf32, #tpu.memory_space<hbm>>
    %dma_wait3A_9 = tpu.memref_slice %arg2[%mul3A_2] : memref<39845888xf32, #tpu.memory_space<hbm>> -> memref<32768xf32, #tpu.memory_space<hbm>>
    tpu.wait_dma2 semaphore(%arg7 : memref<!tpu.dma_semaphore, #tpu.memory_space<semaphore_mem>>) src(%dma_wait3A_9 : memref<32768xf32, #tpu.memory_space<hbm>>) dst(%arg4 : memref<32768xf32, #tpu.memory_space<vmem>>)
    %scan3A = arith.constant 0 : i32
    %scan3A_10 = arith.constant 2048 : i32
    %scan3A_11 = arith.addi %scan3A, %scan3A_10 : i32
    %scan3A_12 = arith.constant 1 : i32
    %scan3A_13 = scf.for %scan3A_458 = %scan3A to %scan3A_11 step %scan3A_12 iter_args(%scan3A_459 = %broadcast_in_dim3A_4) -> (vector<16xf32>)  : i32 {
      %mul3A_460 = arith.constant 16 : i32
      %mul3A_461 = arith.muli %scan3A_458, %mul3A_460 : i32
      %get3A = arith.index_cast %mul3A_461 : i32 to index
      %get3A_462 = tpu.vector_load %arg4[%get3A] {strides = array<i32>} : memref<32768xf32, #tpu.memory_space<vmem>>, vector<16xf32>,
      %get3A_463 = vector.shape_cast %get3A_462 : vector<16xf32> to vector<16xf32>
      %add3A_464 = arith.addf %scan3A_459, %get3A_463 : vector<16xf32>
      scf.yield %add3A_464 : vector<16xf32>
    }
    %scan3A_14 = arith.constant 2048 : i32
    %add3A_15 = arith.constant 65536 : i32
    %add3A_16 = arith.addi %mul3A_2, %add3A_15 : i32
    %dma_start3A_17 = tpu.memref_slice %arg2[%add3A_16] : memref<39845888xf32, #tpu.memory_space<hbm>> -> memref<32768xf32, #tpu.memory_space<hbm>>
    %dma_start3A_18 = tpu.memref_slice %arg2[%add3A_16] : memref<39845888xf32, #tpu.memory_space<hbm>> -> memref<32768xf32, #tpu.memory_space<hbm>>
    tpu.enqueue_dma source(%dma_start3A_18 : memref<32768xf32, #tpu.memory_space<hbm>>) target(%arg4 : memref<32768xf32, #tpu.memory_space<vmem>>) target_semaphore(%arg7 : memref<!tpu.dma_semaphore, #tpu.memory_space<semaphore_mem>>)
    %dma_wait3A_19 = tpu.memref_slice %arg2[%add3A_6] : memref<39845888xf32, #tpu.memory_space<hbm>> -> memref<32768xf32, #tpu.memory_space<hbm>>
    %dma_wait3A_20 = tpu.memref_slice %arg2[%add3A_6] : memref<39845888xf32, #tpu.memory_space<hbm>> -> memref<32768xf32, #tpu.memory_space<hbm>>
    tpu.wait_dma2 semaphore(%arg8 : memref<!tpu.dma_semaphore, #tpu.memory_space<semaphore_mem>>) src(%dma_wait3A_20 : memref<32768xf32, #tpu.memory_space<hbm>>) dst(%arg5 : memref<32768xf32, #tpu.memory_space<vmem>>)
    %scan3A_21 = arith.constant 0 : i32
    %scan3A_22 = arith.constant 2048 : i32
    %scan3A_23 = arith.addi %scan3A_21, %scan3A_22 : i32
    %scan3A_24 = arith.constant 1 : i32
    %scan3A_25 = scf.for %scan3A_458 = %scan3A_21 to %scan3A_23 step %scan3A_24 iter_args(%scan3A_459 = %scan3A_13) -> (vector<16xf32>)  : i32 {
      %mul3A_460 = arith.constant 16 : i32
      %mul3A_461 = arith.muli %scan3A_458, %mul3A_460 : i32
      %get3A = arith.index_cast %mul3A_461 : i32 to index
      %get3A_462 = tpu.vector_load %arg5[%get3A] {strides = array<i32>} : memref<32768xf32, #tpu.memory_space<vmem>>, vector<16xf32>,
      %get3A_463 = vector.shape_cast %get3A_462 : vector<16xf32> to vector<16xf32>
      %add3A_464 = arith.addf %scan3A_459, %get3A_463 : vector<16xf32>
      scf.yield %add3A_464 : vector<16xf32>
    }
    %scan3A_26 = arith.constant 2048 : i32
    %add3A_27 = arith.constant 98304 : i32
    %add3A_28 = arith.addi %mul3A_2, %add3A_27 : i32
    %dma_start3A_29 = tpu.memref_slice %arg2[%add3A_28] : memref<39845888xf32, #tpu.memory_space<hbm>> -> memref<32768xf32, #tpu.memory_space<hbm>>
    %dma_start3A_30 = tpu.memref_slice %arg2[%add3A_28] : memref<39845888xf32, #tpu.memory_space<hbm>> -> memref<32768xf32, #tpu.memory_space<hbm>>
    tpu.enqueue_dma source(%dma_start3A_30 : memref<32768xf32, #tpu.memory_space<hbm>>) target(%arg5 : memref<32768xf32, #tpu.memory_space<vmem>>) target_semaphore(%arg8 : memref<!tpu.dma_semaphore, #tpu.memory_space<semaphore_mem>>)
    %dma_wait3A_31 = tpu.memref_slice %arg2[%add3A_16] : memref<39845888xf32, #tpu.memory_space<hbm>> -> memref<32768xf32, #tpu.memory_space<hbm>>
    %dma_wait3A_32 = tpu.memref_slice %arg2[%add3A_16] : memref<39845888xf32, #tpu.memory_space<hbm>> -> memref<32768xf32, #tpu.memory_space<hbm>>
    tpu.wait_dma2 semaphore(%arg7 : memref<!tpu.dma_semaphore, #tpu.memory_space<semaphore_mem>>) src(%dma_wait3A_32 : memref<32768xf32, #tpu.memory_space<hbm>>) dst(%arg4 : memref<32768xf32, #tpu.memory_space<vmem>>)
    %scan3A_33 = arith.constant 0 : i32
    %scan3A_34 = arith.constant 2048 : i32
    %scan3A_35 = arith.addi %scan3A_33, %scan3A_34 : i32
    %scan3A_36 = arith.constant 1 : i32
    %scan3A_37 = scf.for %scan3A_458 = %scan3A_33 to %scan3A_35 step %scan3A_36 iter_args(%scan3A_459 = %scan3A_25) -> (vector<16xf32>)  : i32 {
      %mul3A_460 = arith.constant 16 : i32
      %mul3A_461 = arith.muli %scan3A_458, %mul3A_460 : i32
      %get3A = arith.index_cast %mul3A_461 : i32 to index
      %get3A_462 = tpu.vector_load %arg4[%get3A] {strides = array<i32>} : memref<32768xf32, #tpu.memory_space<vmem>>, vector<16xf32>,
      %get3A_463 = vector.shape_cast %get3A_462 : vector<16xf32> to vector<16xf32>
      %add3A_464 = arith.addf %scan3A_459, %get3A_463 : vector<16xf32>
      scf.yield %add3A_464 : vector<16xf32>
    }
    %scan3A_38 = arith.constant 2048 : i32
    %add3A_39 = arith.constant 131072 : i32
    %add3A_40 = arith.addi %mul3A_2, %add3A_39 : i32
    %dma_start3A_41 = tpu.memref_slice %arg2[%add3A_40] : memref<39845888xf32, #tpu.memory_space<hbm>> -> memref<32768xf32, #tpu.memory_space<hbm>>
    %dma_start3A_42 = tpu.memref_slice %arg2[%add3A_40] : memref<39845888xf32, #tpu.memory_space<hbm>> -> memref<32768xf32, #tpu.memory_space<hbm>>
    tpu.enqueue_dma source(%dma_start3A_42 : memref<32768xf32, #tpu.memory_space<hbm>>) target(%arg4 : memref<32768xf32, #tpu.memory_space<vmem>>) target_semaphore(%arg7 : memref<!tpu.dma_semaphore, #tpu.memory_space<semaphore_mem>>)
    %dma_wait3A_43 = tpu.memref_slice %arg2[%add3A_28] : memref<39845888xf32, #tpu.memory_space<hbm>> -> memref<32768xf32, #tpu.memory_space<hbm>>
    %dma_wait3A_44 = tpu.memref_slice %arg2[%add3A_28] : memref<39845888xf32, #tpu.memory_space<hbm>> -> memref<32768xf32, #tpu.memory_space<hbm>>
    tpu.wait_dma2 semaphore(%arg8 : memref<!tpu.dma_semaphore, #tpu.memory_space<semaphore_mem>>) src(%dma_wait3A_44 : memref<32768xf32, #tpu.memory_space<hbm>>) dst(%arg5 : memref<32768xf32, #tpu.memory_space<vmem>>)
    %scan3A_45 = arith.constant 0 : i32
    %scan3A_46 = arith.constant 2048 : i32
    %scan3A_47 = arith.addi %scan3A_45, %scan3A_46 : i32
    %scan3A_48 = arith.constant 1 : i32
    %scan3A_49 = scf.for %scan3A_458 = %scan3A_45 to %scan3A_47 step %scan3A_48 iter_args(%scan3A_459 = %scan3A_37) -> (vector<16xf32>)  : i32 {
      %mul3A_460 = arith.constant 16 : i32
      %mul3A_461 = arith.muli %scan3A_458, %mul3A_460 : i32
      %get3A = arith.index_cast %mul3A_461 : i32 to index
      %get3A_462 = tpu.vector_load %arg5[%get3A] {strides = array<i32>} : memref<32768xf32, #tpu.memory_space<vmem>>, vector<16xf32>,
      %get3A_463 = vector.shape_cast %get3A_462 : vector<16xf32> to vector<16xf32>
      %add3A_464 = arith.addf %scan3A_459, %get3A_463 : vector<16xf32>
      scf.yield %add3A_464 : vector<16xf32>
    }
    %scan3A_50 = arith.constant 2048 : i32
    %add3A_51 = arith.constant 163840 : i32
    %add3A_52 = arith.addi %mul3A_2, %add3A_51 : i32
    %dma_start3A_53 = tpu.memref_slice %arg2[%add3A_52] : memref<39845888xf32, #tpu.memory_space<hbm>> -> memref<32768xf32, #tpu.memory_space<hbm>>
    %dma_start3A_54 = tpu.memref_slice %arg2[%add3A_52] : memref<39845888xf32, #tpu.memory_space<hbm>> -> memref<32768xf32, #tpu.memory_space<hbm>>
    tpu.enqueue_dma source(%dma_start3A_54 : memref<32768xf32, #tpu.memory_space<hbm>>) target(%arg5 : memref<32768xf32, #tpu.memory_space<vmem>>) target_semaphore(%arg8 : memref<!tpu.dma_semaphore, #tpu.memory_space<semaphore_mem>>)
    %dma_wait3A_55 = tpu.memref_slice %arg2[%add3A_40] : memref<39845888xf32, #tpu.memory_space<hbm>> -> memref<32768xf32, #tpu.memory_space<hbm>>
    %dma_wait3A_56 = tpu.memref_slice %arg2[%add3A_40] : memref<39845888xf32, #tpu.memory_space<hbm>> -> memref<32768xf32, #tpu.memory_space<hbm>>
    tpu.wait_dma2 semaphore(%arg7 : memref<!tpu.dma_semaphore, #tpu.memory_space<semaphore_mem>>) src(%dma_wait3A_56 : memref<32768xf32, #tpu.memory_space<hbm>>) dst(%arg4 : memref<32768xf32, #tpu.memory_space<vmem>>)
    %scan3A_57 = arith.constant 0 : i32
    %scan3A_58 = arith.constant 2048 : i32
    %scan3A_59 = arith.addi %scan3A_57, %scan3A_58 : i32
    %scan3A_60 = arith.constant 1 : i32
    %scan3A_61 = scf.for %scan3A_458 = %scan3A_57 to %scan3A_59 step %scan3A_60 iter_args(%scan3A_459 = %scan3A_49) -> (vector<16xf32>)  : i32 {
      %mul3A_460 = arith.constant 16 : i32
      %mul3A_461 = arith.muli %scan3A_458, %mul3A_460 : i32
      %get3A = arith.index_cast %mul3A_461 : i32 to index
      %get3A_462 = tpu.vector_load %arg4[%get3A] {strides = array<i32>} : memref<32768xf32, #tpu.memory_space<vmem>>, vector<16xf32>,
      %get3A_463 = vector.shape_cast %get3A_462 : vector<16xf32> to vector<16xf32>
      %add3A_464 = arith.addf %scan3A_459, %get3A_463 : vector<16xf32>
      scf.yield %add3A_464 : vector<16xf32>
    }
    %scan3A_62 = arith.constant 2048 : i32
    %add3A_63 = arith.constant 196608 : i32
    %add3A_64 = arith.addi %mul3A_2, %add3A_63 : i32
    %dma_start3A_65 = tpu.memref_slice %arg2[%add3A_64] : memref<39845888xf32, #tpu.memory_space<hbm>> -> memref<32768xf32, #tpu.memory_space<hbm>>
    %dma_start3A_66 = tpu.memref_slice %arg2[%add3A_64] : memref<39845888xf32, #tpu.memory_space<hbm>> -> memref<32768xf32, #tpu.memory_space<hbm>>
    tpu.enqueue_dma source(%dma_start3A_66 : memref<32768xf32, #tpu.memory_space<hbm>>) target(%arg4 : memref<32768xf32, #tpu.memory_space<vmem>>) target_semaphore(%arg7 : memref<!tpu.dma_semaphore, #tpu.memory_space<semaphore_mem>>)
    %dma_wait3A_67 = tpu.memref_slice %arg2[%add3A_52] : memref<39845888xf32, #tpu.memory_space<hbm>> -> memref<32768xf32, #tpu.memory_space<hbm>>
    %dma_wait3A_68 = tpu.memref_slice %arg2[%add3A_52] : memref<39845888xf32, #tpu.memory_space<hbm>> -> memref<32768xf32, #tpu.memory_space<hbm>>
    tpu.wait_dma2 semaphore(%arg8 : memref<!tpu.dma_semaphore, #tpu.memory_space<semaphore_mem>>) src(%dma_wait3A_68 : memref<32768xf32, #tpu.memory_space<hbm>>) dst(%arg5 : memref<32768xf32, #tpu.memory_space<vmem>>)
    %scan3A_69 = arith.constant 0 : i32
    %scan3A_70 = arith.constant 2048 : i32
    %scan3A_71 = arith.addi %scan3A_69, %scan3A_70 : i32
    %scan3A_72 = arith.constant 1 : i32
    %scan3A_73 = scf.for %scan3A_458 = %scan3A_69 to %scan3A_71 step %scan3A_72 iter_args(%scan3A_459 = %scan3A_61) -> (vector<16xf32>)  : i32 {
      %mul3A_460 = arith.constant 16 : i32
      %mul3A_461 = arith.muli %scan3A_458, %mul3A_460 : i32
      %get3A = arith.index_cast %mul3A_461 : i32 to index
      %get3A_462 = tpu.vector_load %arg5[%get3A] {strides = array<i32>} : memref<32768xf32, #tpu.memory_space<vmem>>, vector<16xf32>,
      %get3A_463 = vector.shape_cast %get3A_462 : vector<16xf32> to vector<16xf32>
      %add3A_464 = arith.addf %scan3A_459, %get3A_463 : vector<16xf32>
      scf.yield %add3A_464 : vector<16xf32>
    }
    %scan3A_74 = arith.constant 2048 : i32
    %add3A_75 = arith.constant 229376 : i32
    %add3A_76 = arith.addi %mul3A_2, %add3A_75 : i32
    %dma_start3A_77 = tpu.memref_slice %arg2[%add3A_76] : memref<39845888xf32, #tpu.memory_space<hbm>> -> memref<32768xf32, #tpu.memory_space<hbm>>
    %dma_start3A_78 = tpu.memref_slice %arg2[%add3A_76] : memref<39845888xf32, #tpu.memory_space<hbm>> -> memref<32768xf32, #tpu.memory_space<hbm>>
    tpu.enqueue_dma source(%dma_start3A_78 : memref<32768xf32, #tpu.memory_space<hbm>>) target(%arg5 : memref<32768xf32, #tpu.memory_space<vmem>>) target_semaphore(%arg8 : memref<!tpu.dma_semaphore, #tpu.memory_space<semaphore_mem>>)
    %dma_wait3A_79 = tpu.memref_slice %arg2[%add3A_64] : memref<39845888xf32, #tpu.memory_space<hbm>> -> memref<32768xf32, #tpu.memory_space<hbm>>
    %dma_wait3A_80 = tpu.memref_slice %arg2[%add3A_64] : memref<39845888xf32, #tpu.memory_space<hbm>> -> memref<32768xf32, #tpu.memory_space<hbm>>
    tpu.wait_dma2 semaphore(%arg7 : memref<!tpu.dma_semaphore, #tpu.memory_space<semaphore_mem>>) src(%dma_wait3A_80 : memref<32768xf32, #tpu.memory_space<hbm>>) dst(%arg4 : memref<32768xf32, #tpu.memory_space<vmem>>)
    %scan3A_81 = arith.constant 0 : i32
    %scan3A_82 = arith.constant 2048 : i32
    %scan3A_83 = arith.addi %scan3A_81, %scan3A_82 : i32
    %scan3A_84 = arith.constant 1 : i32
    %scan3A_85 = scf.for %scan3A_458 = %scan3A_81 to %scan3A_83 step %scan3A_84 iter_args(%scan3A_459 = %scan3A_73) -> (vector<16xf32>)  : i32 {
      %mul3A_460 = arith.constant 16 : i32
      %mul3A_461 = arith.muli %scan3A_458, %mul3A_460 : i32
      %get3A = arith.index_cast %mul3A_461 : i32 to index
      %get3A_462 = tpu.vector_load %arg4[%get3A] {strides = array<i32>} : memref<32768xf32, #tpu.memory_space<vmem>>, vector<16xf32>,
      %get3A_463 = vector.shape_cast %get3A_462 : vector<16xf32> to vector<16xf32>
      %add3A_464 = arith.addf %scan3A_459, %get3A_463 : vector<16xf32>
      scf.yield %add3A_464 : vector<16xf32>
    }
    %scan3A_86 = arith.constant 2048 : i32
    %add3A_87 = arith.constant 262144 : i32
    %add3A_88 = arith.addi %mul3A_2, %add3A_87 : i32
    %dma_start3A_89 = tpu.memref_slice %arg2[%add3A_88] : memref<39845888xf32, #tpu.memory_space<hbm>> -> memref<32768xf32, #tpu.memory_space<hbm>>
    %dma_start3A_90 = tpu.memref_slice %arg2[%add3A_88] : memref<39845888xf32, #tpu.memory_space<hbm>> -> memref<32768xf32, #tpu.memory_space<hbm>>
    tpu.enqueue_dma source(%dma_start3A_90 : memref<32768xf32, #tpu.memory_space<hbm>>) target(%arg4 : memref<32768xf32, #tpu.memory_space<vmem>>) target_semaphore(%arg7 : memref<!tpu.dma_semaphore, #tpu.memory_space<semaphore_mem>>)
    %dma_wait3A_91 = tpu.memref_slice %arg2[%add3A_76] : memref<39845888xf32, #tpu.memory_space<hbm>> -> memref<32768xf32, #tpu.memory_space<hbm>>
    %dma_wait3A_92 = tpu.memref_slice %arg2[%add3A_76] : memref<39845888xf32, #tpu.memory_space<hbm>> -> memref<32768xf32, #tpu.memory_space<hbm>>
    tpu.wait_dma2 semaphore(%arg8 : memref<!tpu.dma_semaphore, #tpu.memory_space<semaphore_mem>>) src(%dma_wait3A_92 : memref<32768xf32, #tpu.memory_space<hbm>>) dst(%arg5 : memref<32768xf32, #tpu.memory_space<vmem>>)
    %scan3A_93 = arith.constant 0 : i32
    %scan3A_94 = arith.constant 2048 : i32
    %scan3A_95 = arith.addi %scan3A_93, %scan3A_94 : i32
    %scan3A_96 = arith.constant 1 : i32
    %scan3A_97 = scf.for %scan3A_458 = %scan3A_93 to %scan3A_95 step %scan3A_96 iter_args(%scan3A_459 = %scan3A_85) -> (vector<16xf32>)  : i32 {
      %mul3A_460 = arith.constant 16 : i32
      %mul3A_461 = arith.muli %scan3A_458, %mul3A_460 : i32
      %get3A = arith.index_cast %mul3A_461 : i32 to index
      %get3A_462 = tpu.vector_load %arg5[%get3A] {strides = array<i32>} : memref<32768xf32, #tpu.memory_space<vmem>>, vector<16xf32>,
      %get3A_463 = vector.shape_cast %get3A_462 : vector<16xf32> to vector<16xf32>
      %add3A_464 = arith.addf %scan3A_459, %get3A_463 : vector<16xf32>
      scf.yield %add3A_464 : vector<16xf32>
    }
    %scan3A_98 = arith.constant 2048 : i32
    %add3A_99 = arith.constant 294912 : i32
    %add3A_100 = arith.addi %mul3A_2, %add3A_99 : i32
    %dma_start3A_101 = tpu.memref_slice %arg2[%add3A_100] : memref<39845888xf32, #tpu.memory_space<hbm>> -> memref<32768xf32, #tpu.memory_space<hbm>>
    %dma_start3A_102 = tpu.memref_slice %arg2[%add3A_100] : memref<39845888xf32, #tpu.memory_space<hbm>> -> memref<32768xf32, #tpu.memory_space<hbm>>
    tpu.enqueue_dma source(%dma_start3A_102 : memref<32768xf32, #tpu.memory_space<hbm>>) target(%arg5 : memref<32768xf32, #tpu.memory_space<vmem>>) target_semaphore(%arg8 : memref<!tpu.dma_semaphore, #tpu.memory_space<semaphore_mem>>)
    %dma_wait3A_103 = tpu.memref_slice %arg2[%add3A_88] : memref<39845888xf32, #tpu.memory_space<hbm>> -> memref<32768xf32, #tpu.memory_space<hbm>>
    %dma_wait3A_104 = tpu.memref_slice %arg2[%add3A_88] : memref<39845888xf32, #tpu.memory_space<hbm>> -> memref<32768xf32, #tpu.memory_space<hbm>>
    tpu.wait_dma2 semaphore(%arg7 : memref<!tpu.dma_semaphore, #tpu.memory_space<semaphore_mem>>) src(%dma_wait3A_104 : memref<32768xf32, #tpu.memory_space<hbm>>) dst(%arg4 : memref<32768xf32, #tpu.memory_space<vmem>>)
    %scan3A_105 = arith.constant 0 : i32
    %scan3A_106 = arith.constant 2048 : i32
    %scan3A_107 = arith.addi %scan3A_105, %scan3A_106 : i32
    %scan3A_108 = arith.constant 1 : i32
    %scan3A_109 = scf.for %scan3A_458 = %scan3A_105 to %scan3A_107 step %scan3A_108 iter_args(%scan3A_459 = %scan3A_97) -> (vector<16xf32>)  : i32 {
      %mul3A_460 = arith.constant 16 : i32
      %mul3A_461 = arith.muli %scan3A_458, %mul3A_460 : i32
      %get3A = arith.index_cast %mul3A_461 : i32 to index
      %get3A_462 = tpu.vector_load %arg4[%get3A] {strides = array<i32>} : memref<32768xf32, #tpu.memory_space<vmem>>, vector<16xf32>,
      %get3A_463 = vector.shape_cast %get3A_462 : vector<16xf32> to vector<16xf32>
      %add3A_464 = arith.addf %scan3A_459, %get3A_463 : vector<16xf32>
      scf.yield %add3A_464 : vector<16xf32>
    }
    %scan3A_110 = arith.constant 2048 : i32
    %add3A_111 = arith.constant 327680 : i32
    %add3A_112 = arith.addi %mul3A_2, %add3A_111 : i32
    %dma_start3A_113 = tpu.memref_slice %arg2[%add3A_112] : memref<39845888xf32, #tpu.memory_space<hbm>> -> memref<32768xf32, #tpu.memory_space<hbm>>
    %dma_start3A_114 = tpu.memref_slice %arg2[%add3A_112] : memref<39845888xf32, #tpu.memory_space<hbm>> -> memref<32768xf32, #tpu.memory_space<hbm>>
    tpu.enqueue_dma source(%dma_start3A_114 : memref<32768xf32, #tpu.memory_space<hbm>>) target(%arg4 : memref<32768xf32, #tpu.memory_space<vmem>>) target_semaphore(%arg7 : memref<!tpu.dma_semaphore, #tpu.memory_space<semaphore_mem>>)
    %dma_wait3A_115 = tpu.memref_slice %arg2[%add3A_100] : memref<39845888xf32, #tpu.memory_space<hbm>> -> memref<32768xf32, #tpu.memory_space<hbm>>
    %dma_wait3A_116 = tpu.memref_slice %arg2[%add3A_100] : memref<39845888xf32, #tpu.memory_space<hbm>> -> memref<32768xf32, #tpu.memory_space<hbm>>
    tpu.wait_dma2 semaphore(%arg8 : memref<!tpu.dma_semaphore, #tpu.memory_space<semaphore_mem>>) src(%dma_wait3A_116 : memref<32768xf32, #tpu.memory_space<hbm>>) dst(%arg5 : memref<32768xf32, #tpu.memory_space<vmem>>)
    %scan3A_117 = arith.constant 0 : i32
    %scan3A_118 = arith.constant 2048 : i32
    %scan3A_119 = arith.addi %scan3A_117, %scan3A_118 : i32
    %scan3A_120 = arith.constant 1 : i32
    %scan3A_121 = scf.for %scan3A_458 = %scan3A_117 to %scan3A_119 step %scan3A_120 iter_args(%scan3A_459 = %scan3A_109) -> (vector<16xf32>)  : i32 {
      %mul3A_460 = arith.constant 16 : i32
      %mul3A_461 = arith.muli %scan3A_458, %mul3A_460 : i32
      %get3A = arith.index_cast %mul3A_461 : i32 to index
      %get3A_462 = tpu.vector_load %arg5[%get3A] {strides = array<i32>} : memref<32768xf32, #tpu.memory_space<vmem>>, vector<16xf32>,
      %get3A_463 = vector.shape_cast %get3A_462 : vector<16xf32> to vector<16xf32>
      %add3A_464 = arith.addf %scan3A_459, %get3A_463 : vector<16xf32>
      scf.yield %add3A_464 : vector<16xf32>
    }
    %scan3A_122 = arith.constant 2048 : i32
    %add3A_123 = arith.constant 360448 : i32
    %add3A_124 = arith.addi %mul3A_2, %add3A_123 : i32
    %dma_start3A_125 = tpu.memref_slice %arg2[%add3A_124] : memref<39845888xf32, #tpu.memory_space<hbm>> -> memref<32768xf32, #tpu.memory_space<hbm>>
    %dma_start3A_126 = tpu.memref_slice %arg2[%add3A_124] : memref<39845888xf32, #tpu.memory_space<hbm>> -> memref<32768xf32, #tpu.memory_space<hbm>>
    tpu.enqueue_dma source(%dma_start3A_126 : memref<32768xf32, #tpu.memory_space<hbm>>) target(%arg5 : memref<32768xf32, #tpu.memory_space<vmem>>) target_semaphore(%arg8 : memref<!tpu.dma_semaphore, #tpu.memory_space<semaphore_mem>>)
    %dma_wait3A_127 = tpu.memref_slice %arg2[%add3A_112] : memref<39845888xf32, #tpu.memory_space<hbm>> -> memref<32768xf32, #tpu.memory_space<hbm>>
    %dma_wait3A_128 = tpu.memref_slice %arg2[%add3A_112] : memref<39845888xf32, #tpu.memory_space<hbm>> -> memref<32768xf32, #tpu.memory_space<hbm>>
    tpu.wait_dma2 semaphore(%arg7 : memref<!tpu.dma_semaphore, #tpu.memory_space<semaphore_mem>>) src(%dma_wait3A_128 : memref<32768xf32, #tpu.memory_space<hbm>>) dst(%arg4 : memref<32768xf32, #tpu.memory_space<vmem>>)
    %scan3A_129 = arith.constant 0 : i32
    %scan3A_130 = arith.constant 2048 : i32
    %scan3A_131 = arith.addi %scan3A_129, %scan3A_130 : i32
    %scan3A_132 = arith.constant 1 : i32
    %scan3A_133 = scf.for %scan3A_458 = %scan3A_129 to %scan3A_131 step %scan3A_132 iter_args(%scan3A_459 = %scan3A_121) -> (vector<16xf32>)  : i32 {
      %mul3A_460 = arith.constant 16 : i32
      %mul3A_461 = arith.muli %scan3A_458, %mul3A_460 : i32
      %get3A = arith.index_cast %mul3A_461 : i32 to index
      %get3A_462 = tpu.vector_load %arg4[%get3A] {strides = array<i32>} : memref<32768xf32, #tpu.memory_space<vmem>>, vector<16xf32>,
      %get3A_463 = vector.shape_cast %get3A_462 : vector<16xf32> to vector<16xf32>
      %add3A_464 = arith.addf %scan3A_459, %get3A_463 : vector<16xf32>
      scf.yield %add3A_464 : vector<16xf32>
    }
    %scan3A_134 = arith.constant 2048 : i32
    %add3A_135 = arith.constant 393216 : i32
    %add3A_136 = arith.addi %mul3A_2, %add3A_135 : i32
    %dma_start3A_137 = tpu.memref_slice %arg2[%add3A_136] : memref<39845888xf32, #tpu.memory_space<hbm>> -> memref<32768xf32, #tpu.memory_space<hbm>>
    %dma_start3A_138 = tpu.memref_slice %arg2[%add3A_136] : memref<39845888xf32, #tpu.memory_space<hbm>> -> memref<32768xf32, #tpu.memory_space<hbm>>
    tpu.enqueue_dma source(%dma_start3A_138 : memref<32768xf32, #tpu.memory_space<hbm>>) target(%arg4 : memref<32768xf32, #tpu.memory_space<vmem>>) target_semaphore(%arg7 : memref<!tpu.dma_semaphore, #tpu.memory_space<semaphore_mem>>)
    %dma_wait3A_139 = tpu.memref_slice %arg2[%add3A_124] : memref<39845888xf32, #tpu.memory_space<hbm>> -> memref<32768xf32, #tpu.memory_space<hbm>>
    %dma_wait3A_140 = tpu.memref_slice %arg2[%add3A_124] : memref<39845888xf32, #tpu.memory_space<hbm>> -> memref<32768xf32, #tpu.memory_space<hbm>>
    tpu.wait_dma2 semaphore(%arg8 : memref<!tpu.dma_semaphore, #tpu.memory_space<semaphore_mem>>) src(%dma_wait3A_140 : memref<32768xf32, #tpu.memory_space<hbm>>) dst(%arg5 : memref<32768xf32, #tpu.memory_space<vmem>>)
    %scan3A_141 = arith.constant 0 : i32
    %scan3A_142 = arith.constant 2048 : i32
    %scan3A_143 = arith.addi %scan3A_141, %scan3A_142 : i32
    %scan3A_144 = arith.constant 1 : i32
    %scan3A_145 = scf.for %scan3A_458 = %scan3A_141 to %scan3A_143 step %scan3A_144 iter_args(%scan3A_459 = %scan3A_133) -> (vector<16xf32>)  : i32 {
      %mul3A_460 = arith.constant 16 : i32
      %mul3A_461 = arith.muli %scan3A_458, %mul3A_460 : i32
      %get3A = arith.index_cast %mul3A_461 : i32 to index
      %get3A_462 = tpu.vector_load %arg5[%get3A] {strides = array<i32>} : memref<32768xf32, #tpu.memory_space<vmem>>, vector<16xf32>,
      %get3A_463 = vector.shape_cast %get3A_462 : vector<16xf32> to vector<16xf32>
      %add3A_464 = arith.addf %scan3A_459, %get3A_463 : vector<16xf32>
      scf.yield %add3A_464 : vector<16xf32>
    }
    %scan3A_146 = arith.constant 2048 : i32
    %add3A_147 = arith.constant 425984 : i32
    %add3A_148 = arith.addi %mul3A_2, %add3A_147 : i32
    %dma_start3A_149 = tpu.memref_slice %arg2[%add3A_148] : memref<39845888xf32, #tpu.memory_space<hbm>> -> memref<32768xf32, #tpu.memory_space<hbm>>
    %dma_start3A_150 = tpu.memref_slice %arg2[%add3A_148] : memref<39845888xf32, #tpu.memory_space<hbm>> -> memref<32768xf32, #tpu.memory_space<hbm>>
    tpu.enqueue_dma source(%dma_start3A_150 : memref<32768xf32, #tpu.memory_space<hbm>>) target(%arg5 : memref<32768xf32, #tpu.memory_space<vmem>>) target_semaphore(%arg8 : memref<!tpu.dma_semaphore, #tpu.memory_space<semaphore_mem>>)
    %dma_wait3A_151 = tpu.memref_slice %arg2[%add3A_136] : memref<39845888xf32, #tpu.memory_space<hbm>> -> memref<32768xf32, #tpu.memory_space<hbm>>
    %dma_wait3A_152 = tpu.memref_slice %arg2[%add3A_136] : memref<39845888xf32, #tpu.memory_space<hbm>> -> memref<32768xf32, #tpu.memory_space<hbm>>
    tpu.wait_dma2 semaphore(%arg7 : memref<!tpu.dma_semaphore, #tpu.memory_space<semaphore_mem>>) src(%dma_wait3A_152 : memref<32768xf32, #tpu.memory_space<hbm>>) dst(%arg4 : memref<32768xf32, #tpu.memory_space<vmem>>)
    %scan3A_153 = arith.constant 0 : i32
    %scan3A_154 = arith.constant 2048 : i32
    %scan3A_155 = arith.addi %scan3A_153, %scan3A_154 : i32
    %scan3A_156 = arith.constant 1 : i32
    %scan3A_157 = scf.for %scan3A_458 = %scan3A_153 to %scan3A_155 step %scan3A_156 iter_args(%scan3A_459 = %scan3A_145) -> (vector<16xf32>)  : i32 {
      %mul3A_460 = arith.constant 16 : i32
      %mul3A_461 = arith.muli %scan3A_458, %mul3A_460 : i32
      %get3A = arith.index_cast %mul3A_461 : i32 to index
      %get3A_462 = tpu.vector_load %arg4[%get3A] {strides = array<i32>} : memref<32768xf32, #tpu.memory_space<vmem>>, vector<16xf32>,
      %get3A_463 = vector.shape_cast %get3A_462 : vector<16xf32> to vector<16xf32>
      %add3A_464 = arith.addf %scan3A_459, %get3A_463 : vector<16xf32>
      scf.yield %add3A_464 : vector<16xf32>
    }
    %scan3A_158 = arith.constant 2048 : i32
    %add3A_159 = arith.constant 458752 : i32
    %add3A_160 = arith.addi %mul3A_2, %add3A_159 : i32
    %dma_start3A_161 = tpu.memref_slice %arg2[%add3A_160] : memref<39845888xf32, #tpu.memory_space<hbm>> -> memref<32768xf32, #tpu.memory_space<hbm>>
    %dma_start3A_162 = tpu.memref_slice %arg2[%add3A_160] : memref<39845888xf32, #tpu.memory_space<hbm>> -> memref<32768xf32, #tpu.memory_space<hbm>>
    tpu.enqueue_dma source(%dma_start3A_162 : memref<32768xf32, #tpu.memory_space<hbm>>) target(%arg4 : memref<32768xf32, #tpu.memory_space<vmem>>) target_semaphore(%arg7 : memref<!tpu.dma_semaphore, #tpu.memory_space<semaphore_mem>>)
    %dma_wait3A_163 = tpu.memref_slice %arg2[%add3A_148] : memref<39845888xf32, #tpu.memory_space<hbm>> -> memref<32768xf32, #tpu.memory_space<hbm>>
    %dma_wait3A_164 = tpu.memref_slice %arg2[%add3A_148] : memref<39845888xf32, #tpu.memory_space<hbm>> -> memref<32768xf32, #tpu.memory_space<hbm>>
    tpu.wait_dma2 semaphore(%arg8 : memref<!tpu.dma_semaphore, #tpu.memory_space<semaphore_mem>>) src(%dma_wait3A_164 : memref<32768xf32, #tpu.memory_space<hbm>>) dst(%arg5 : memref<32768xf32, #tpu.memory_space<vmem>>)
    %scan3A_165 = arith.constant 0 : i32
    %scan3A_166 = arith.constant 2048 : i32
    %scan3A_167 = arith.addi %scan3A_165, %scan3A_166 : i32
    %scan3A_168 = arith.constant 1 : i32
    %scan3A_169 = scf.for %scan3A_458 = %scan3A_165 to %scan3A_167 step %scan3A_168 iter_args(%scan3A_459 = %scan3A_157) -> (vector<16xf32>)  : i32 {
      %mul3A_460 = arith.constant 16 : i32
      %mul3A_461 = arith.muli %scan3A_458, %mul3A_460 : i32
      %get3A = arith.index_cast %mul3A_461 : i32 to index
      %get3A_462 = tpu.vector_load %arg5[%get3A] {strides = array<i32>} : memref<32768xf32, #tpu.memory_space<vmem>>, vector<16xf32>,
      %get3A_463 = vector.shape_cast %get3A_462 : vector<16xf32> to vector<16xf32>
      %add3A_464 = arith.addf %scan3A_459, %get3A_463 : vector<16xf32>
      scf.yield %add3A_464 : vector<16xf32>
    }
    %scan3A_170 = arith.constant 2048 : i32
    %add3A_171 = arith.constant 491520 : i32
    %add3A_172 = arith.addi %mul3A_2, %add3A_171 : i32
    %dma_start3A_173 = tpu.memref_slice %arg2[%add3A_172] : memref<39845888xf32, #tpu.memory_space<hbm>> -> memref<32768xf32, #tpu.memory_space<hbm>>
    %dma_start3A_174 = tpu.memref_slice %arg2[%add3A_172] : memref<39845888xf32, #tpu.memory_space<hbm>> -> memref<32768xf32, #tpu.memory_space<hbm>>
    tpu.enqueue_dma source(%dma_start3A_174 : memref<32768xf32, #tpu.memory_space<hbm>>) target(%arg5 : memref<32768xf32, #tpu.memory_space<vmem>>) target_semaphore(%arg8 : memref<!tpu.dma_semaphore, #tpu.memory_space<semaphore_mem>>)
    %dma_wait3A_175 = tpu.memref_slice %arg2[%add3A_160] : memref<39845888xf32, #tpu.memory_space<hbm>> -> memref<32768xf32, #tpu.memory_space<hbm>>
    %dma_wait3A_176 = tpu.memref_slice %arg2[%add3A_160] : memref<39845888xf32, #tpu.memory_space<hbm>> -> memref<32768xf32, #tpu.memory_space<hbm>>
    tpu.wait_dma2 semaphore(%arg7 : memref<!tpu.dma_semaphore, #tpu.memory_space<semaphore_mem>>) src(%dma_wait3A_176 : memref<32768xf32, #tpu.memory_space<hbm>>) dst(%arg4 : memref<32768xf32, #tpu.memory_space<vmem>>)
    %scan3A_177 = arith.constant 0 : i32
    %scan3A_178 = arith.constant 2048 : i32
    %scan3A_179 = arith.addi %scan3A_177, %scan3A_178 : i32
    %scan3A_180 = arith.constant 1 : i32
    %scan3A_181 = scf.for %scan3A_458 = %scan3A_177 to %scan3A_179 step %scan3A_180 iter_args(%scan3A_459 = %scan3A_169) -> (vector<16xf32>)  : i32 {
      %mul3A_460 = arith.constant 16 : i32
      %mul3A_461 = arith.muli %scan3A_458, %mul3A_460 : i32
      %get3A = arith.index_cast %mul3A_461 : i32 to index
      %get3A_462 = tpu.vector_load %arg4[%get3A] {strides = array<i32>} : memref<32768xf32, #tpu.memory_space<vmem>>, vector<16xf32>,
      %get3A_463 = vector.shape_cast %get3A_462 : vector<16xf32> to vector<16xf32>
      %add3A_464 = arith.addf %scan3A_459, %get3A_463 : vector<16xf32>
      scf.yield %add3A_464 : vector<16xf32>
    }
    %scan3A_182 = arith.constant 2048 : i32
    %add3A_183 = arith.constant 524288 : i32
    %add3A_184 = arith.addi %mul3A_2, %add3A_183 : i32
    %dma_start3A_185 = tpu.memref_slice %arg2[%add3A_184] : memref<39845888xf32, #tpu.memory_space<hbm>> -> memref<32768xf32, #tpu.memory_space<hbm>>
    %dma_start3A_186 = tpu.memref_slice %arg2[%add3A_184] : memref<39845888xf32, #tpu.memory_space<hbm>> -> memref<32768xf32, #tpu.memory_space<hbm>>
    tpu.enqueue_dma source(%dma_start3A_186 : memref<32768xf32, #tpu.memory_space<hbm>>) target(%arg4 : memref<32768xf32, #tpu.memory_space<vmem>>) target_semaphore(%arg7 : memref<!tpu.dma_semaphore, #tpu.memory_space<semaphore_mem>>)
    %dma_wait3A_187 = tpu.memref_slice %arg2[%add3A_172] : memref<39845888xf32, #tpu.memory_space<hbm>> -> memref<32768xf32, #tpu.memory_space<hbm>>
    %dma_wait3A_188 = tpu.memref_slice %arg2[%add3A_172] : memref<39845888xf32, #tpu.memory_space<hbm>> -> memref<32768xf32, #tpu.memory_space<hbm>>
    tpu.wait_dma2 semaphore(%arg8 : memref<!tpu.dma_semaphore, #tpu.memory_space<semaphore_mem>>) src(%dma_wait3A_188 : memref<32768xf32, #tpu.memory_space<hbm>>) dst(%arg5 : memref<32768xf32, #tpu.memory_space<vmem>>)
    %scan3A_189 = arith.constant 0 : i32
    %scan3A_190 = arith.constant 2048 : i32
    %scan3A_191 = arith.addi %scan3A_189, %scan3A_190 : i32
    %scan3A_192 = arith.constant 1 : i32
    %scan3A_193 = scf.for %scan3A_458 = %scan3A_189 to %scan3A_191 step %scan3A_192 iter_args(%scan3A_459 = %scan3A_181) -> (vector<16xf32>)  : i32 {
      %mul3A_460 = arith.constant 16 : i32
      %mul3A_461 = arith.muli %scan3A_458, %mul3A_460 : i32
      %get3A = arith.index_cast %mul3A_461 : i32 to index
      %get3A_462 = tpu.vector_load %arg5[%get3A] {strides = array<i32>} : memref<32768xf32, #tpu.memory_space<vmem>>, vector<16xf32>,
      %get3A_463 = vector.shape_cast %get3A_462 : vector<16xf32> to vector<16xf32>
      %add3A_464 = arith.addf %scan3A_459, %get3A_463 : vector<16xf32>
      scf.yield %add3A_464 : vector<16xf32>
    }
    %scan3A_194 = arith.constant 2048 : i32
    %add3A_195 = arith.constant 557056 : i32
    %add3A_196 = arith.addi %mul3A_2, %add3A_195 : i32
    %dma_start3A_197 = tpu.memref_slice %arg2[%add3A_196] : memref<39845888xf32, #tpu.memory_space<hbm>> -> memref<32768xf32, #tpu.memory_space<hbm>>
    %dma_start3A_198 = tpu.memref_slice %arg2[%add3A_196] : memref<39845888xf32, #tpu.memory_space<hbm>> -> memref<32768xf32, #tpu.memory_space<hbm>>
    tpu.enqueue_dma source(%dma_start3A_198 : memref<32768xf32, #tpu.memory_space<hbm>>) target(%arg5 : memref<32768xf32, #tpu.memory_space<vmem>>) target_semaphore(%arg8 : memref<!tpu.dma_semaphore, #tpu.memory_space<semaphore_mem>>)
    %dma_wait3A_199 = tpu.memref_slice %arg2[%add3A_184] : memref<39845888xf32, #tpu.memory_space<hbm>> -> memref<32768xf32, #tpu.memory_space<hbm>>
    %dma_wait3A_200 = tpu.memref_slice %arg2[%add3A_184] : memref<39845888xf32, #tpu.memory_space<hbm>> -> memref<32768xf32, #tpu.memory_space<hbm>>
    tpu.wait_dma2 semaphore(%arg7 : memref<!tpu.dma_semaphore, #tpu.memory_space<semaphore_mem>>) src(%dma_wait3A_200 : memref<32768xf32, #tpu.memory_space<hbm>>) dst(%arg4 : memref<32768xf32, #tpu.memory_space<vmem>>)
    %scan3A_201 = arith.constant 0 : i32
    %scan3A_202 = arith.constant 2048 : i32
    %scan3A_203 = arith.addi %scan3A_201, %scan3A_202 : i32
    %scan3A_204 = arith.constant 1 : i32
    %scan3A_205 = scf.for %scan3A_458 = %scan3A_201 to %scan3A_203 step %scan3A_204 iter_args(%scan3A_459 = %scan3A_193) -> (vector<16xf32>)  : i32 {
      %mul3A_460 = arith.constant 16 : i32
      %mul3A_461 = arith.muli %scan3A_458, %mul3A_460 : i32
      %get3A = arith.index_cast %mul3A_461 : i32 to index
      %get3A_462 = tpu.vector_load %arg4[%get3A] {strides = array<i32>} : memref<32768xf32, #tpu.memory_space<vmem>>, vector<16xf32>,
      %get3A_463 = vector.shape_cast %get3A_462 : vector<16xf32> to vector<16xf32>
      %add3A_464 = arith.addf %scan3A_459, %get3A_463 : vector<16xf32>
      scf.yield %add3A_464 : vector<16xf32>
    }
    %scan3A_206 = arith.constant 2048 : i32
    %add3A_207 = arith.constant 589824 : i32
    %add3A_208 = arith.addi %mul3A_2, %add3A_207 : i32
    %dma_start3A_209 = tpu.memref_slice %arg2[%add3A_208] : memref<39845888xf32, #tpu.memory_space<hbm>> -> memref<32768xf32, #tpu.memory_space<hbm>>
    %dma_start3A_210 = tpu.memref_slice %arg2[%add3A_208] : memref<39845888xf32, #tpu.memory_space<hbm>> -> memref<32768xf32, #tpu.memory_space<hbm>>
    tpu.enqueue_dma source(%dma_start3A_210 : memref<32768xf32, #tpu.memory_space<hbm>>) target(%arg4 : memref<32768xf32, #tpu.memory_space<vmem>>) target_semaphore(%arg7 : memref<!tpu.dma_semaphore, #tpu.memory_space<semaphore_mem>>)
    %dma_wait3A_211 = tpu.memref_slice %arg2[%add3A_196] : memref<39845888xf32, #tpu.memory_space<hbm>> -> memref<32768xf32, #tpu.memory_space<hbm>>
    %dma_wait3A_212 = tpu.memref_slice %arg2[%add3A_196] : memref<39845888xf32, #tpu.memory_space<hbm>> -> memref<32768xf32, #tpu.memory_space<hbm>>
    tpu.wait_dma2 semaphore(%arg8 : memref<!tpu.dma_semaphore, #tpu.memory_space<semaphore_mem>>) src(%dma_wait3A_212 : memref<32768xf32, #tpu.memory_space<hbm>>) dst(%arg5 : memref<32768xf32, #tpu.memory_space<vmem>>)
    %scan3A_213 = arith.constant 0 : i32
    %scan3A_214 = arith.constant 2048 : i32
    %scan3A_215 = arith.addi %scan3A_213, %scan3A_214 : i32
    %scan3A_216 = arith.constant 1 : i32
    %scan3A_217 = scf.for %scan3A_458 = %scan3A_213 to %scan3A_215 step %scan3A_216 iter_args(%scan3A_459 = %scan3A_205) -> (vector<16xf32>)  : i32 {
      %mul3A_460 = arith.constant 16 : i32
      %mul3A_461 = arith.muli %scan3A_458, %mul3A_460 : i32
      %get3A = arith.index_cast %mul3A_461 : i32 to index
      %get3A_462 = tpu.vector_load %arg5[%get3A] {strides = array<i32>} : memref<32768xf32, #tpu.memory_space<vmem>>, vector<16xf32>,
      %get3A_463 = vector.shape_cast %get3A_462 : vector<16xf32> to vector<16xf32>
      %add3A_464 = arith.addf %scan3A_459, %get3A_463 : vector<16xf32>
      scf.yield %add3A_464 : vector<16xf32>
    }
    %scan3A_218 = arith.constant 2048 : i32
    %add3A_219 = arith.constant 622592 : i32
    %add3A_220 = arith.addi %mul3A_2, %add3A_219 : i32
    %dma_start3A_221 = tpu.memref_slice %arg2[%add3A_220] : memref<39845888xf32, #tpu.memory_space<hbm>> -> memref<32768xf32, #tpu.memory_space<hbm>>
    %dma_start3A_222 = tpu.memref_slice %arg2[%add3A_220] : memref<39845888xf32, #tpu.memory_space<hbm>> -> memref<32768xf32, #tpu.memory_space<hbm>>
    tpu.enqueue_dma source(%dma_start3A_222 : memref<32768xf32, #tpu.memory_space<hbm>>) target(%arg5 : memref<32768xf32, #tpu.memory_space<vmem>>) target_semaphore(%arg8 : memref<!tpu.dma_semaphore, #tpu.memory_space<semaphore_mem>>)
    %dma_wait3A_223 = tpu.memref_slice %arg2[%add3A_208] : memref<39845888xf32, #tpu.memory_space<hbm>> -> memref<32768xf32, #tpu.memory_space<hbm>>
    %dma_wait3A_224 = tpu.memref_slice %arg2[%add3A_208] : memref<39845888xf32, #tpu.memory_space<hbm>> -> memref<32768xf32, #tpu.memory_space<hbm>>
    tpu.wait_dma2 semaphore(%arg7 : memref<!tpu.dma_semaphore, #tpu.memory_space<semaphore_mem>>) src(%dma_wait3A_224 : memref<32768xf32, #tpu.memory_space<hbm>>) dst(%arg4 : memref<32768xf32, #tpu.memory_space<vmem>>)
    %scan3A_225 = arith.constant 0 : i32
    %scan3A_226 = arith.constant 2048 : i32
    %scan3A_227 = arith.addi %scan3A_225, %scan3A_226 : i32
    %scan3A_228 = arith.constant 1 : i32
    %scan3A_229 = scf.for %scan3A_458 = %scan3A_225 to %scan3A_227 step %scan3A_228 iter_args(%scan3A_459 = %scan3A_217) -> (vector<16xf32>)  : i32 {
      %mul3A_460 = arith.constant 16 : i32
      %mul3A_461 = arith.muli %scan3A_458, %mul3A_460 : i32
      %get3A = arith.index_cast %mul3A_461 : i32 to index
      %get3A_462 = tpu.vector_load %arg4[%get3A] {strides = array<i32>} : memref<32768xf32, #tpu.memory_space<vmem>>, vector<16xf32>,
      %get3A_463 = vector.shape_cast %get3A_462 : vector<16xf32> to vector<16xf32>
      %add3A_464 = arith.addf %scan3A_459, %get3A_463 : vector<16xf32>
      scf.yield %add3A_464 : vector<16xf32>
    }
    %scan3A_230 = arith.constant 2048 : i32
    %add3A_231 = arith.constant 655360 : i32
    %add3A_232 = arith.addi %mul3A_2, %add3A_231 : i32
    %dma_start3A_233 = tpu.memref_slice %arg2[%add3A_232] : memref<39845888xf32, #tpu.memory_space<hbm>> -> memref<32768xf32, #tpu.memory_space<hbm>>
    %dma_start3A_234 = tpu.memref_slice %arg2[%add3A_232] : memref<39845888xf32, #tpu.memory_space<hbm>> -> memref<32768xf32, #tpu.memory_space<hbm>>
    tpu.enqueue_dma source(%dma_start3A_234 : memref<32768xf32, #tpu.memory_space<hbm>>) target(%arg4 : memref<32768xf32, #tpu.memory_space<vmem>>) target_semaphore(%arg7 : memref<!tpu.dma_semaphore, #tpu.memory_space<semaphore_mem>>)
    %dma_wait3A_235 = tpu.memref_slice %arg2[%add3A_220] : memref<39845888xf32, #tpu.memory_space<hbm>> -> memref<32768xf32, #tpu.memory_space<hbm>>
    %dma_wait3A_236 = tpu.memref_slice %arg2[%add3A_220] : memref<39845888xf32, #tpu.memory_space<hbm>> -> memref<32768xf32, #tpu.memory_space<hbm>>
    tpu.wait_dma2 semaphore(%arg8 : memref<!tpu.dma_semaphore, #tpu.memory_space<semaphore_mem>>) src(%dma_wait3A_236 : memref<32768xf32, #tpu.memory_space<hbm>>) dst(%arg5 : memref<32768xf32, #tpu.memory_space<vmem>>)
    %scan3A_237 = arith.constant 0 : i32
    %scan3A_238 = arith.constant 2048 : i32
    %scan3A_239 = arith.addi %scan3A_237, %scan3A_238 : i32
    %scan3A_240 = arith.constant 1 : i32
    %scan3A_241 = scf.for %scan3A_458 = %scan3A_237 to %scan3A_239 step %scan3A_240 iter_args(%scan3A_459 = %scan3A_229) -> (vector<16xf32>)  : i32 {
      %mul3A_460 = arith.constant 16 : i32
      %mul3A_461 = arith.muli %scan3A_458, %mul3A_460 : i32
      %get3A = arith.index_cast %mul3A_461 : i32 to index
      %get3A_462 = tpu.vector_load %arg5[%get3A] {strides = array<i32>} : memref<32768xf32, #tpu.memory_space<vmem>>, vector<16xf32>,
      %get3A_463 = vector.shape_cast %get3A_462 : vector<16xf32> to vector<16xf32>
      %add3A_464 = arith.addf %scan3A_459, %get3A_463 : vector<16xf32>
      scf.yield %add3A_464 : vector<16xf32>
    }
    %scan3A_242 = arith.constant 2048 : i32
    %add3A_243 = arith.constant 688128 : i32
    %add3A_244 = arith.addi %mul3A_2, %add3A_243 : i32
    %dma_start3A_245 = tpu.memref_slice %arg2[%add3A_244] : memref<39845888xf32, #tpu.memory_space<hbm>> -> memref<32768xf32, #tpu.memory_space<hbm>>
    %dma_start3A_246 = tpu.memref_slice %arg2[%add3A_244] : memref<39845888xf32, #tpu.memory_space<hbm>> -> memref<32768xf32, #tpu.memory_space<hbm>>
    tpu.enqueue_dma source(%dma_start3A_246 : memref<32768xf32, #tpu.memory_space<hbm>>) target(%arg5 : memref<32768xf32, #tpu.memory_space<vmem>>) target_semaphore(%arg8 : memref<!tpu.dma_semaphore, #tpu.memory_space<semaphore_mem>>)
    %dma_wait3A_247 = tpu.memref_slice %arg2[%add3A_232] : memref<39845888xf32, #tpu.memory_space<hbm>> -> memref<32768xf32, #tpu.memory_space<hbm>>
    %dma_wait3A_248 = tpu.memref_slice %arg2[%add3A_232] : memref<39845888xf32, #tpu.memory_space<hbm>> -> memref<32768xf32, #tpu.memory_space<hbm>>
    tpu.wait_dma2 semaphore(%arg7 : memref<!tpu.dma_semaphore, #tpu.memory_space<semaphore_mem>>) src(%dma_wait3A_248 : memref<32768xf32, #tpu.memory_space<hbm>>) dst(%arg4 : memref<32768xf32, #tpu.memory_space<vmem>>)
    %scan3A_249 = arith.constant 0 : i32
    %scan3A_250 = arith.constant 2048 : i32
    %scan3A_251 = arith.addi %scan3A_249, %scan3A_250 : i32
    %scan3A_252 = arith.constant 1 : i32
    %scan3A_253 = scf.for %scan3A_458 = %scan3A_249 to %scan3A_251 step %scan3A_252 iter_args(%scan3A_459 = %scan3A_241) -> (vector<16xf32>)  : i32 {
      %mul3A_460 = arith.constant 16 : i32
      %mul3A_461 = arith.muli %scan3A_458, %mul3A_460 : i32
      %get3A = arith.index_cast %mul3A_461 : i32 to index
      %get3A_462 = tpu.vector_load %arg4[%get3A] {strides = array<i32>} : memref<32768xf32, #tpu.memory_space<vmem>>, vector<16xf32>,
      %get3A_463 = vector.shape_cast %get3A_462 : vector<16xf32> to vector<16xf32>
      %add3A_464 = arith.addf %scan3A_459, %get3A_463 : vector<16xf32>
      scf.yield %add3A_464 : vector<16xf32>
    }
    %scan3A_254 = arith.constant 2048 : i32
    %add3A_255 = arith.constant 720896 : i32
    %add3A_256 = arith.addi %mul3A_2, %add3A_255 : i32
    %dma_start3A_257 = tpu.memref_slice %arg2[%add3A_256] : memref<39845888xf32, #tpu.memory_space<hbm>> -> memref<32768xf32, #tpu.memory_space<hbm>>
    %dma_start3A_258 = tpu.memref_slice %arg2[%add3A_256] : memref<39845888xf32, #tpu.memory_space<hbm>> -> memref<32768xf32, #tpu.memory_space<hbm>>
    tpu.enqueue_dma source(%dma_start3A_258 : memref<32768xf32, #tpu.memory_space<hbm>>) target(%arg4 : memref<32768xf32, #tpu.memory_space<vmem>>) target_semaphore(%arg7 : memref<!tpu.dma_semaphore, #tpu.memory_space<semaphore_mem>>)
    %dma_wait3A_259 = tpu.memref_slice %arg2[%add3A_244] : memref<39845888xf32, #tpu.memory_space<hbm>> -> memref<32768xf32, #tpu.memory_space<hbm>>
    %dma_wait3A_260 = tpu.memref_slice %arg2[%add3A_244] : memref<39845888xf32, #tpu.memory_space<hbm>> -> memref<32768xf32, #tpu.memory_space<hbm>>
    tpu.wait_dma2 semaphore(%arg8 : memref<!tpu.dma_semaphore, #tpu.memory_space<semaphore_mem>>) src(%dma_wait3A_260 : memref<32768xf32, #tpu.memory_space<hbm>>) dst(%arg5 : memref<32768xf32, #tpu.memory_space<vmem>>)
    %scan3A_261 = arith.constant 0 : i32
    %scan3A_262 = arith.constant 2048 : i32
    %scan3A_263 = arith.addi %scan3A_261, %scan3A_262 : i32
    %scan3A_264 = arith.constant 1 : i32
    %scan3A_265 = scf.for %scan3A_458 = %scan3A_261 to %scan3A_263 step %scan3A_264 iter_args(%scan3A_459 = %scan3A_253) -> (vector<16xf32>)  : i32 {
      %mul3A_460 = arith.constant 16 : i32
      %mul3A_461 = arith.muli %scan3A_458, %mul3A_460 : i32
      %get3A = arith.index_cast %mul3A_461 : i32 to index
      %get3A_462 = tpu.vector_load %arg5[%get3A] {strides = array<i32>} : memref<32768xf32, #tpu.memory_space<vmem>>, vector<16xf32>,
      %get3A_463 = vector.shape_cast %get3A_462 : vector<16xf32> to vector<16xf32>
      %add3A_464 = arith.addf %scan3A_459, %get3A_463 : vector<16xf32>
      scf.yield %add3A_464 : vector<16xf32>
    }
    %scan3A_266 = arith.constant 2048 : i32
    %add3A_267 = arith.constant 753664 : i32
    %add3A_268 = arith.addi %mul3A_2, %add3A_267 : i32
    %dma_start3A_269 = tpu.memref_slice %arg2[%add3A_268] : memref<39845888xf32, #tpu.memory_space<hbm>> -> memref<32768xf32, #tpu.memory_space<hbm>>
    %dma_start3A_270 = tpu.memref_slice %arg2[%add3A_268] : memref<39845888xf32, #tpu.memory_space<hbm>> -> memref<32768xf32, #tpu.memory_space<hbm>>
    tpu.enqueue_dma source(%dma_start3A_270 : memref<32768xf32, #tpu.memory_space<hbm>>) target(%arg5 : memref<32768xf32, #tpu.memory_space<vmem>>) target_semaphore(%arg8 : memref<!tpu.dma_semaphore, #tpu.memory_space<semaphore_mem>>)
    %dma_wait3A_271 = tpu.memref_slice %arg2[%add3A_256] : memref<39845888xf32, #tpu.memory_space<hbm>> -> memref<32768xf32, #tpu.memory_space<hbm>>
    %dma_wait3A_272 = tpu.memref_slice %arg2[%add3A_256] : memref<39845888xf32, #tpu.memory_space<hbm>> -> memref<32768xf32, #tpu.memory_space<hbm>>
    tpu.wait_dma2 semaphore(%arg7 : memref<!tpu.dma_semaphore, #tpu.memory_space<semaphore_mem>>) src(%dma_wait3A_272 : memref<32768xf32, #tpu.memory_space<hbm>>) dst(%arg4 : memref<32768xf32, #tpu.memory_space<vmem>>)
    %scan3A_273 = arith.constant 0 : i32
    %scan3A_274 = arith.constant 2048 : i32
    %scan3A_275 = arith.addi %scan3A_273, %scan3A_274 : i32
    %scan3A_276 = arith.constant 1 : i32
    %scan3A_277 = scf.for %scan3A_458 = %scan3A_273 to %scan3A_275 step %scan3A_276 iter_args(%scan3A_459 = %scan3A_265) -> (vector<16xf32>)  : i32 {
      %mul3A_460 = arith.constant 16 : i32
      %mul3A_461 = arith.muli %scan3A_458, %mul3A_460 : i32
      %get3A = arith.index_cast %mul3A_461 : i32 to index
      %get3A_462 = tpu.vector_load %arg4[%get3A] {strides = array<i32>} : memref<32768xf32, #tpu.memory_space<vmem>>, vector<16xf32>,
      %get3A_463 = vector.shape_cast %get3A_462 : vector<16xf32> to vector<16xf32>
      %add3A_464 = arith.addf %scan3A_459, %get3A_463 : vector<16xf32>
      scf.yield %add3A_464 : vector<16xf32>
    }
    %scan3A_278 = arith.constant 2048 : i32
    %add3A_279 = arith.constant 786432 : i32
    %add3A_280 = arith.addi %mul3A_2, %add3A_279 : i32
    %dma_start3A_281 = tpu.memref_slice %arg2[%add3A_280] : memref<39845888xf32, #tpu.memory_space<hbm>> -> memref<32768xf32, #tpu.memory_space<hbm>>
    %dma_start3A_282 = tpu.memref_slice %arg2[%add3A_280] : memref<39845888xf32, #tpu.memory_space<hbm>> -> memref<32768xf32, #tpu.memory_space<hbm>>
    tpu.enqueue_dma source(%dma_start3A_282 : memref<32768xf32, #tpu.memory_space<hbm>>) target(%arg4 : memref<32768xf32, #tpu.memory_space<vmem>>) target_semaphore(%arg7 : memref<!tpu.dma_semaphore, #tpu.memory_space<semaphore_mem>>)
    %dma_wait3A_283 = tpu.memref_slice %arg2[%add3A_268] : memref<39845888xf32, #tpu.memory_space<hbm>> -> memref<32768xf32, #tpu.memory_space<hbm>>
    %dma_wait3A_284 = tpu.memref_slice %arg2[%add3A_268] : memref<39845888xf32, #tpu.memory_space<hbm>> -> memref<32768xf32, #tpu.memory_space<hbm>>
    tpu.wait_dma2 semaphore(%arg8 : memref<!tpu.dma_semaphore, #tpu.memory_space<semaphore_mem>>) src(%dma_wait3A_284 : memref<32768xf32, #tpu.memory_space<hbm>>) dst(%arg5 : memref<32768xf32, #tpu.memory_space<vmem>>)
    %scan3A_285 = arith.constant 0 : i32
    %scan3A_286 = arith.constant 2048 : i32
    %scan3A_287 = arith.addi %scan3A_285, %scan3A_286 : i32
    %scan3A_288 = arith.constant 1 : i32
    %scan3A_289 = scf.for %scan3A_458 = %scan3A_285 to %scan3A_287 step %scan3A_288 iter_args(%scan3A_459 = %scan3A_277) -> (vector<16xf32>)  : i32 {
      %mul3A_460 = arith.constant 16 : i32
      %mul3A_461 = arith.muli %scan3A_458, %mul3A_460 : i32
      %get3A = arith.index_cast %mul3A_461 : i32 to index
      %get3A_462 = tpu.vector_load %arg5[%get3A] {strides = array<i32>} : memref<32768xf32, #tpu.memory_space<vmem>>, vector<16xf32>,
      %get3A_463 = vector.shape_cast %get3A_462 : vector<16xf32> to vector<16xf32>
      %add3A_464 = arith.addf %scan3A_459, %get3A_463 : vector<16xf32>
      scf.yield %add3A_464 : vector<16xf32>
    }
    %scan3A_290 = arith.constant 2048 : i32
    %add3A_291 = arith.constant 819200 : i32
    %add3A_292 = arith.addi %mul3A_2, %add3A_291 : i32
    %dma_start3A_293 = tpu.memref_slice %arg2[%add3A_292] : memref<39845888xf32, #tpu.memory_space<hbm>> -> memref<32768xf32, #tpu.memory_space<hbm>>
    %dma_start3A_294 = tpu.memref_slice %arg2[%add3A_292] : memref<39845888xf32, #tpu.memory_space<hbm>> -> memref<32768xf32, #tpu.memory_space<hbm>>
    tpu.enqueue_dma source(%dma_start3A_294 : memref<32768xf32, #tpu.memory_space<hbm>>) target(%arg5 : memref<32768xf32, #tpu.memory_space<vmem>>) target_semaphore(%arg8 : memref<!tpu.dma_semaphore, #tpu.memory_space<semaphore_mem>>)
    %dma_wait3A_295 = tpu.memref_slice %arg2[%add3A_280] : memref<39845888xf32, #tpu.memory_space<hbm>> -> memref<32768xf32, #tpu.memory_space<hbm>>
    %dma_wait3A_296 = tpu.memref_slice %arg2[%add3A_280] : memref<39845888xf32, #tpu.memory_space<hbm>> -> memref<32768xf32, #tpu.memory_space<hbm>>
    tpu.wait_dma2 semaphore(%arg7 : memref<!tpu.dma_semaphore, #tpu.memory_space<semaphore_mem>>) src(%dma_wait3A_296 : memref<32768xf32, #tpu.memory_space<hbm>>) dst(%arg4 : memref<32768xf32, #tpu.memory_space<vmem>>)
    %scan3A_297 = arith.constant 0 : i32
    %scan3A_298 = arith.constant 2048 : i32
    %scan3A_299 = arith.addi %scan3A_297, %scan3A_298 : i32
    %scan3A_300 = arith.constant 1 : i32
    %scan3A_301 = scf.for %scan3A_458 = %scan3A_297 to %scan3A_299 step %scan3A_300 iter_args(%scan3A_459 = %scan3A_289) -> (vector<16xf32>)  : i32 {
      %mul3A_460 = arith.constant 16 : i32
      %mul3A_461 = arith.muli %scan3A_458, %mul3A_460 : i32
      %get3A = arith.index_cast %mul3A_461 : i32 to index
      %get3A_462 = tpu.vector_load %arg4[%get3A] {strides = array<i32>} : memref<32768xf32, #tpu.memory_space<vmem>>, vector<16xf32>,
      %get3A_463 = vector.shape_cast %get3A_462 : vector<16xf32> to vector<16xf32>
      %add3A_464 = arith.addf %scan3A_459, %get3A_463 : vector<16xf32>
      scf.yield %add3A_464 : vector<16xf32>
    }
    %scan3A_302 = arith.constant 2048 : i32
    %add3A_303 = arith.constant 851968 : i32
    %add3A_304 = arith.addi %mul3A_2, %add3A_303 : i32
    %dma_start3A_305 = tpu.memref_slice %arg2[%add3A_304] : memref<39845888xf32, #tpu.memory_space<hbm>> -> memref<32768xf32, #tpu.memory_space<hbm>>
    %dma_start3A_306 = tpu.memref_slice %arg2[%add3A_304] : memref<39845888xf32, #tpu.memory_space<hbm>> -> memref<32768xf32, #tpu.memory_space<hbm>>
    tpu.enqueue_dma source(%dma_start3A_306 : memref<32768xf32, #tpu.memory_space<hbm>>) target(%arg4 : memref<32768xf32, #tpu.memory_space<vmem>>) target_semaphore(%arg7 : memref<!tpu.dma_semaphore, #tpu.memory_space<semaphore_mem>>)
    %dma_wait3A_307 = tpu.memref_slice %arg2[%add3A_292] : memref<39845888xf32, #tpu.memory_space<hbm>> -> memref<32768xf32, #tpu.memory_space<hbm>>
    %dma_wait3A_308 = tpu.memref_slice %arg2[%add3A_292] : memref<39845888xf32, #tpu.memory_space<hbm>> -> memref<32768xf32, #tpu.memory_space<hbm>>
    tpu.wait_dma2 semaphore(%arg8 : memref<!tpu.dma_semaphore, #tpu.memory_space<semaphore_mem>>) src(%dma_wait3A_308 : memref<32768xf32, #tpu.memory_space<hbm>>) dst(%arg5 : memref<32768xf32, #tpu.memory_space<vmem>>)
    %scan3A_309 = arith.constant 0 : i32
    %scan3A_310 = arith.constant 2048 : i32
    %scan3A_311 = arith.addi %scan3A_309, %scan3A_310 : i32
    %scan3A_312 = arith.constant 1 : i32
    %scan3A_313 = scf.for %scan3A_458 = %scan3A_309 to %scan3A_311 step %scan3A_312 iter_args(%scan3A_459 = %scan3A_301) -> (vector<16xf32>)  : i32 {
      %mul3A_460 = arith.constant 16 : i32
      %mul3A_461 = arith.muli %scan3A_458, %mul3A_460 : i32
      %get3A = arith.index_cast %mul3A_461 : i32 to index
      %get3A_462 = tpu.vector_load %arg5[%get3A] {strides = array<i32>} : memref<32768xf32, #tpu.memory_space<vmem>>, vector<16xf32>,
      %get3A_463 = vector.shape_cast %get3A_462 : vector<16xf32> to vector<16xf32>
      %add3A_464 = arith.addf %scan3A_459, %get3A_463 : vector<16xf32>
      scf.yield %add3A_464 : vector<16xf32>
    }
    %scan3A_314 = arith.constant 2048 : i32
    %add3A_315 = arith.constant 884736 : i32
    %add3A_316 = arith.addi %mul3A_2, %add3A_315 : i32
    %dma_start3A_317 = tpu.memref_slice %arg2[%add3A_316] : memref<39845888xf32, #tpu.memory_space<hbm>> -> memref<32768xf32, #tpu.memory_space<hbm>>
    %dma_start3A_318 = tpu.memref_slice %arg2[%add3A_316] : memref<39845888xf32, #tpu.memory_space<hbm>> -> memref<32768xf32, #tpu.memory_space<hbm>>
    tpu.enqueue_dma source(%dma_start3A_318 : memref<32768xf32, #tpu.memory_space<hbm>>) target(%arg5 : memref<32768xf32, #tpu.memory_space<vmem>>) target_semaphore(%arg8 : memref<!tpu.dma_semaphore, #tpu.memory_space<semaphore_mem>>)
    %dma_wait3A_319 = tpu.memref_slice %arg2[%add3A_304] : memref<39845888xf32, #tpu.memory_space<hbm>> -> memref<32768xf32, #tpu.memory_space<hbm>>
    %dma_wait3A_320 = tpu.memref_slice %arg2[%add3A_304] : memref<39845888xf32, #tpu.memory_space<hbm>> -> memref<32768xf32, #tpu.memory_space<hbm>>
    tpu.wait_dma2 semaphore(%arg7 : memref<!tpu.dma_semaphore, #tpu.memory_space<semaphore_mem>>) src(%dma_wait3A_320 : memref<32768xf32, #tpu.memory_space<hbm>>) dst(%arg4 : memref<32768xf32, #tpu.memory_space<vmem>>)
    %scan3A_321 = arith.constant 0 : i32
    %scan3A_322 = arith.constant 2048 : i32
    %scan3A_323 = arith.addi %scan3A_321, %scan3A_322 : i32
    %scan3A_324 = arith.constant 1 : i32
    %scan3A_325 = scf.for %scan3A_458 = %scan3A_321 to %scan3A_323 step %scan3A_324 iter_args(%scan3A_459 = %scan3A_313) -> (vector<16xf32>)  : i32 {
      %mul3A_460 = arith.constant 16 : i32
      %mul3A_461 = arith.muli %scan3A_458, %mul3A_460 : i32
      %get3A = arith.index_cast %mul3A_461 : i32 to index
      %get3A_462 = tpu.vector_load %arg4[%get3A] {strides = array<i32>} : memref<32768xf32, #tpu.memory_space<vmem>>, vector<16xf32>,
      %get3A_463 = vector.shape_cast %get3A_462 : vector<16xf32> to vector<16xf32>
      %add3A_464 = arith.addf %scan3A_459, %get3A_463 : vector<16xf32>
      scf.yield %add3A_464 : vector<16xf32>
    }
    %scan3A_326 = arith.constant 2048 : i32
    %add3A_327 = arith.constant 917504 : i32
    %add3A_328 = arith.addi %mul3A_2, %add3A_327 : i32
    %dma_start3A_329 = tpu.memref_slice %arg2[%add3A_328] : memref<39845888xf32, #tpu.memory_space<hbm>> -> memref<32768xf32, #tpu.memory_space<hbm>>
    %dma_start3A_330 = tpu.memref_slice %arg2[%add3A_328] : memref<39845888xf32, #tpu.memory_space<hbm>> -> memref<32768xf32, #tpu.memory_space<hbm>>
    tpu.enqueue_dma source(%dma_start3A_330 : memref<32768xf32, #tpu.memory_space<hbm>>) target(%arg4 : memref<32768xf32, #tpu.memory_space<vmem>>) target_semaphore(%arg7 : memref<!tpu.dma_semaphore, #tpu.memory_space<semaphore_mem>>)
    %dma_wait3A_331 = tpu.memref_slice %arg2[%add3A_316] : memref<39845888xf32, #tpu.memory_space<hbm>> -> memref<32768xf32, #tpu.memory_space<hbm>>
    %dma_wait3A_332 = tpu.memref_slice %arg2[%add3A_316] : memref<39845888xf32, #tpu.memory_space<hbm>> -> memref<32768xf32, #tpu.memory_space<hbm>>
    tpu.wait_dma2 semaphore(%arg8 : memref<!tpu.dma_semaphore, #tpu.memory_space<semaphore_mem>>) src(%dma_wait3A_332 : memref<32768xf32, #tpu.memory_space<hbm>>) dst(%arg5 : memref<32768xf32, #tpu.memory_space<vmem>>)
    %scan3A_333 = arith.constant 0 : i32
    %scan3A_334 = arith.constant 2048 : i32
    %scan3A_335 = arith.addi %scan3A_333, %scan3A_334 : i32
    %scan3A_336 = arith.constant 1 : i32
    %scan3A_337 = scf.for %scan3A_458 = %scan3A_333 to %scan3A_335 step %scan3A_336 iter_args(%scan3A_459 = %scan3A_325) -> (vector<16xf32>)  : i32 {
      %mul3A_460 = arith.constant 16 : i32
      %mul3A_461 = arith.muli %scan3A_458, %mul3A_460 : i32
      %get3A = arith.index_cast %mul3A_461 : i32 to index
      %get3A_462 = tpu.vector_load %arg5[%get3A] {strides = array<i32>} : memref<32768xf32, #tpu.memory_space<vmem>>, vector<16xf32>,
      %get3A_463 = vector.shape_cast %get3A_462 : vector<16xf32> to vector<16xf32>
      %add3A_464 = arith.addf %scan3A_459, %get3A_463 : vector<16xf32>
      scf.yield %add3A_464 : vector<16xf32>
    }
    %scan3A_338 = arith.constant 2048 : i32
    %add3A_339 = arith.constant 950272 : i32
    %add3A_340 = arith.addi %mul3A_2, %add3A_339 : i32
    %dma_start3A_341 = tpu.memref_slice %arg2[%add3A_340] : memref<39845888xf32, #tpu.memory_space<hbm>> -> memref<32768xf32, #tpu.memory_space<hbm>>
    %dma_start3A_342 = tpu.memref_slice %arg2[%add3A_340] : memref<39845888xf32, #tpu.memory_space<hbm>> -> memref<32768xf32, #tpu.memory_space<hbm>>
    tpu.enqueue_dma source(%dma_start3A_342 : memref<32768xf32, #tpu.memory_space<hbm>>) target(%arg5 : memref<32768xf32, #tpu.memory_space<vmem>>) target_semaphore(%arg8 : memref<!tpu.dma_semaphore, #tpu.memory_space<semaphore_mem>>)
    %dma_wait3A_343 = tpu.memref_slice %arg2[%add3A_328] : memref<39845888xf32, #tpu.memory_space<hbm>> -> memref<32768xf32, #tpu.memory_space<hbm>>
    %dma_wait3A_344 = tpu.memref_slice %arg2[%add3A_328] : memref<39845888xf32, #tpu.memory_space<hbm>> -> memref<32768xf32, #tpu.memory_space<hbm>>
    tpu.wait_dma2 semaphore(%arg7 : memref<!tpu.dma_semaphore, #tpu.memory_space<semaphore_mem>>) src(%dma_wait3A_344 : memref<32768xf32, #tpu.memory_space<hbm>>) dst(%arg4 : memref<32768xf32, #tpu.memory_space<vmem>>)
    %scan3A_345 = arith.constant 0 : i32
    %scan3A_346 = arith.constant 2048 : i32
    %scan3A_347 = arith.addi %scan3A_345, %scan3A_346 : i32
    %scan3A_348 = arith.constant 1 : i32
    %scan3A_349 = scf.for %scan3A_458 = %scan3A_345 to %scan3A_347 step %scan3A_348 iter_args(%scan3A_459 = %scan3A_337) -> (vector<16xf32>)  : i32 {
      %mul3A_460 = arith.constant 16 : i32
      %mul3A_461 = arith.muli %scan3A_458, %mul3A_460 : i32
      %get3A = arith.index_cast %mul3A_461 : i32 to index
      %get3A_462 = tpu.vector_load %arg4[%get3A] {strides = array<i32>} : memref<32768xf32, #tpu.memory_space<vmem>>, vector<16xf32>,
      %get3A_463 = vector.shape_cast %get3A_462 : vector<16xf32> to vector<16xf32>
      %add3A_464 = arith.addf %scan3A_459, %get3A_463 : vector<16xf32>
      scf.yield %add3A_464 : vector<16xf32>
    }
    %scan3A_350 = arith.constant 2048 : i32
    %add3A_351 = arith.constant 983040 : i32
    %add3A_352 = arith.addi %mul3A_2, %add3A_351 : i32
    %dma_start3A_353 = tpu.memref_slice %arg2[%add3A_352] : memref<39845888xf32, #tpu.memory_space<hbm>> -> memref<32768xf32, #tpu.memory_space<hbm>>
    %dma_start3A_354 = tpu.memref_slice %arg2[%add3A_352] : memref<39845888xf32, #tpu.memory_space<hbm>> -> memref<32768xf32, #tpu.memory_space<hbm>>
    tpu.enqueue_dma source(%dma_start3A_354 : memref<32768xf32, #tpu.memory_space<hbm>>) target(%arg4 : memref<32768xf32, #tpu.memory_space<vmem>>) target_semaphore(%arg7 : memref<!tpu.dma_semaphore, #tpu.memory_space<semaphore_mem>>)
    %dma_wait3A_355 = tpu.memref_slice %arg2[%add3A_340] : memref<39845888xf32, #tpu.memory_space<hbm>> -> memref<32768xf32, #tpu.memory_space<hbm>>
    %dma_wait3A_356 = tpu.memref_slice %arg2[%add3A_340] : memref<39845888xf32, #tpu.memory_space<hbm>> -> memref<32768xf32, #tpu.memory_space<hbm>>
    tpu.wait_dma2 semaphore(%arg8 : memref<!tpu.dma_semaphore, #tpu.memory_space<semaphore_mem>>) src(%dma_wait3A_356 : memref<32768xf32, #tpu.memory_space<hbm>>) dst(%arg5 : memref<32768xf32, #tpu.memory_space<vmem>>)
    %scan3A_357 = arith.constant 0 : i32
    %scan3A_358 = arith.constant 2048 : i32
    %scan3A_359 = arith.addi %scan3A_357, %scan3A_358 : i32
    %scan3A_360 = arith.constant 1 : i32
    %scan3A_361 = scf.for %scan3A_458 = %scan3A_357 to %scan3A_359 step %scan3A_360 iter_args(%scan3A_459 = %scan3A_349) -> (vector<16xf32>)  : i32 {
      %mul3A_460 = arith.constant 16 : i32
      %mul3A_461 = arith.muli %scan3A_458, %mul3A_460 : i32
      %get3A = arith.index_cast %mul3A_461 : i32 to index
      %get3A_462 = tpu.vector_load %arg5[%get3A] {strides = array<i32>} : memref<32768xf32, #tpu.memory_space<vmem>>, vector<16xf32>,
      %get3A_463 = vector.shape_cast %get3A_462 : vector<16xf32> to vector<16xf32>
      %add3A_464 = arith.addf %scan3A_459, %get3A_463 : vector<16xf32>
      scf.yield %add3A_464 : vector<16xf32>
    }
    %scan3A_362 = arith.constant 2048 : i32
    %add3A_363 = arith.constant 1015808 : i32
    %add3A_364 = arith.addi %mul3A_2, %add3A_363 : i32
    %dma_start3A_365 = tpu.memref_slice %arg2[%add3A_364] : memref<39845888xf32, #tpu.memory_space<hbm>> -> memref<32768xf32, #tpu.memory_space<hbm>>
    %dma_start3A_366 = tpu.memref_slice %arg2[%add3A_364] : memref<39845888xf32, #tpu.memory_space<hbm>> -> memref<32768xf32, #tpu.memory_space<hbm>>
    tpu.enqueue_dma source(%dma_start3A_366 : memref<32768xf32, #tpu.memory_space<hbm>>) target(%arg5 : memref<32768xf32, #tpu.memory_space<vmem>>) target_semaphore(%arg8 : memref<!tpu.dma_semaphore, #tpu.memory_space<semaphore_mem>>)
    %dma_wait3A_367 = tpu.memref_slice %arg2[%add3A_352] : memref<39845888xf32, #tpu.memory_space<hbm>> -> memref<32768xf32, #tpu.memory_space<hbm>>
    %dma_wait3A_368 = tpu.memref_slice %arg2[%add3A_352] : memref<39845888xf32, #tpu.memory_space<hbm>> -> memref<32768xf32, #tpu.memory_space<hbm>>
    tpu.wait_dma2 semaphore(%arg7 : memref<!tpu.dma_semaphore, #tpu.memory_space<semaphore_mem>>) src(%dma_wait3A_368 : memref<32768xf32, #tpu.memory_space<hbm>>) dst(%arg4 : memref<32768xf32, #tpu.memory_space<vmem>>)
    %scan3A_369 = arith.constant 0 : i32
    %scan3A_370 = arith.constant 2048 : i32
    %scan3A_371 = arith.addi %scan3A_369, %scan3A_370 : i32
    %scan3A_372 = arith.constant 1 : i32
    %scan3A_373 = scf.for %scan3A_458 = %scan3A_369 to %scan3A_371 step %scan3A_372 iter_args(%scan3A_459 = %scan3A_361) -> (vector<16xf32>)  : i32 {
      %mul3A_460 = arith.constant 16 : i32
      %mul3A_461 = arith.muli %scan3A_458, %mul3A_460 : i32
      %get3A = arith.index_cast %mul3A_461 : i32 to index
      %get3A_462 = tpu.vector_load %arg4[%get3A] {strides = array<i32>} : memref<32768xf32, #tpu.memory_space<vmem>>, vector<16xf32>,
      %get3A_463 = vector.shape_cast %get3A_462 : vector<16xf32> to vector<16xf32>
      %add3A_464 = arith.addf %scan3A_459, %get3A_463 : vector<16xf32>
      scf.yield %add3A_464 : vector<16xf32>
    }
    %scan3A_374 = arith.constant 2048 : i32
    %add3A_375 = arith.constant 1048576 : i32
    %add3A_376 = arith.addi %mul3A_2, %add3A_375 : i32
    %dma_start3A_377 = tpu.memref_slice %arg2[%add3A_376] : memref<39845888xf32, #tpu.memory_space<hbm>> -> memref<32768xf32, #tpu.memory_space<hbm>>
    %dma_start3A_378 = tpu.memref_slice %arg2[%add3A_376] : memref<39845888xf32, #tpu.memory_space<hbm>> -> memref<32768xf32, #tpu.memory_space<hbm>>
    tpu.enqueue_dma source(%dma_start3A_378 : memref<32768xf32, #tpu.memory_space<hbm>>) target(%arg4 : memref<32768xf32, #tpu.memory_space<vmem>>) target_semaphore(%arg7 : memref<!tpu.dma_semaphore, #tpu.memory_space<semaphore_mem>>)
    %dma_wait3A_379 = tpu.memref_slice %arg2[%add3A_364] : memref<39845888xf32, #tpu.memory_space<hbm>> -> memref<32768xf32, #tpu.memory_space<hbm>>
    %dma_wait3A_380 = tpu.memref_slice %arg2[%add3A_364] : memref<39845888xf32, #tpu.memory_space<hbm>> -> memref<32768xf32, #tpu.memory_space<hbm>>
    tpu.wait_dma2 semaphore(%arg8 : memref<!tpu.dma_semaphore, #tpu.memory_space<semaphore_mem>>) src(%dma_wait3A_380 : memref<32768xf32, #tpu.memory_space<hbm>>) dst(%arg5 : memref<32768xf32, #tpu.memory_space<vmem>>)
    %scan3A_381 = arith.constant 0 : i32
    %scan3A_382 = arith.constant 2048 : i32
    %scan3A_383 = arith.addi %scan3A_381, %scan3A_382 : i32
    %scan3A_384 = arith.constant 1 : i32
    %scan3A_385 = scf.for %scan3A_458 = %scan3A_381 to %scan3A_383 step %scan3A_384 iter_args(%scan3A_459 = %scan3A_373) -> (vector<16xf32>)  : i32 {
      %mul3A_460 = arith.constant 16 : i32
      %mul3A_461 = arith.muli %scan3A_458, %mul3A_460 : i32
      %get3A = arith.index_cast %mul3A_461 : i32 to index
      %get3A_462 = tpu.vector_load %arg5[%get3A] {strides = array<i32>} : memref<32768xf32, #tpu.memory_space<vmem>>, vector<16xf32>,
      %get3A_463 = vector.shape_cast %get3A_462 : vector<16xf32> to vector<16xf32>
      %add3A_464 = arith.addf %scan3A_459, %get3A_463 : vector<16xf32>
      scf.yield %add3A_464 : vector<16xf32>
    }
    %scan3A_386 = arith.constant 2048 : i32
    %add3A_387 = arith.constant 1081344 : i32
    %add3A_388 = arith.addi %mul3A_2, %add3A_387 : i32
    %dma_start3A_389 = tpu.memref_slice %arg2[%add3A_388] : memref<39845888xf32, #tpu.memory_space<hbm>> -> memref<32768xf32, #tpu.memory_space<hbm>>
    %dma_start3A_390 = tpu.memref_slice %arg2[%add3A_388] : memref<39845888xf32, #tpu.memory_space<hbm>> -> memref<32768xf32, #tpu.memory_space<hbm>>
    tpu.enqueue_dma source(%dma_start3A_390 : memref<32768xf32, #tpu.memory_space<hbm>>) target(%arg5 : memref<32768xf32, #tpu.memory_space<vmem>>) target_semaphore(%arg8 : memref<!tpu.dma_semaphore, #tpu.memory_space<semaphore_mem>>)
    %dma_wait3A_391 = tpu.memref_slice %arg2[%add3A_376] : memref<39845888xf32, #tpu.memory_space<hbm>> -> memref<32768xf32, #tpu.memory_space<hbm>>
    %dma_wait3A_392 = tpu.memref_slice %arg2[%add3A_376] : memref<39845888xf32, #tpu.memory_space<hbm>> -> memref<32768xf32, #tpu.memory_space<hbm>>
    tpu.wait_dma2 semaphore(%arg7 : memref<!tpu.dma_semaphore, #tpu.memory_space<semaphore_mem>>) src(%dma_wait3A_392 : memref<32768xf32, #tpu.memory_space<hbm>>) dst(%arg4 : memref<32768xf32, #tpu.memory_space<vmem>>)
    %scan3A_393 = arith.constant 0 : i32
    %scan3A_394 = arith.constant 2048 : i32
    %scan3A_395 = arith.addi %scan3A_393, %scan3A_394 : i32
    %scan3A_396 = arith.constant 1 : i32
    %scan3A_397 = scf.for %scan3A_458 = %scan3A_393 to %scan3A_395 step %scan3A_396 iter_args(%scan3A_459 = %scan3A_385) -> (vector<16xf32>)  : i32 {
      %mul3A_460 = arith.constant 16 : i32
      %mul3A_461 = arith.muli %scan3A_458, %mul3A_460 : i32
      %get3A = arith.index_cast %mul3A_461 : i32 to index
      %get3A_462 = tpu.vector_load %arg4[%get3A] {strides = array<i32>} : memref<32768xf32, #tpu.memory_space<vmem>>, vector<16xf32>,
      %get3A_463 = vector.shape_cast %get3A_462 : vector<16xf32> to vector<16xf32>
      %add3A_464 = arith.addf %scan3A_459, %get3A_463 : vector<16xf32>
      scf.yield %add3A_464 : vector<16xf32>
    }
    %scan3A_398 = arith.constant 2048 : i32
    %add3A_399 = arith.constant 1114112 : i32
    %add3A_400 = arith.addi %mul3A_2, %add3A_399 : i32
    %dma_start3A_401 = tpu.memref_slice %arg2[%add3A_400] : memref<39845888xf32, #tpu.memory_space<hbm>> -> memref<32768xf32, #tpu.memory_space<hbm>>
    %dma_start3A_402 = tpu.memref_slice %arg2[%add3A_400] : memref<39845888xf32, #tpu.memory_space<hbm>> -> memref<32768xf32, #tpu.memory_space<hbm>>
    tpu.enqueue_dma source(%dma_start3A_402 : memref<32768xf32, #tpu.memory_space<hbm>>) target(%arg4 : memref<32768xf32, #tpu.memory_space<vmem>>) target_semaphore(%arg7 : memref<!tpu.dma_semaphore, #tpu.memory_space<semaphore_mem>>)
    %dma_wait3A_403 = tpu.memref_slice %arg2[%add3A_388] : memref<39845888xf32, #tpu.memory_space<hbm>> -> memref<32768xf32, #tpu.memory_space<hbm>>
    %dma_wait3A_404 = tpu.memref_slice %arg2[%add3A_388] : memref<39845888xf32, #tpu.memory_space<hbm>> -> memref<32768xf32, #tpu.memory_space<hbm>>
    tpu.wait_dma2 semaphore(%arg8 : memref<!tpu.dma_semaphore, #tpu.memory_space<semaphore_mem>>) src(%dma_wait3A_404 : memref<32768xf32, #tpu.memory_space<hbm>>) dst(%arg5 : memref<32768xf32, #tpu.memory_space<vmem>>)
    %scan3A_405 = arith.constant 0 : i32
    %scan3A_406 = arith.constant 2048 : i32
    %scan3A_407 = arith.addi %scan3A_405, %scan3A_406 : i32
    %scan3A_408 = arith.constant 1 : i32
    %scan3A_409 = scf.for %scan3A_458 = %scan3A_405 to %scan3A_407 step %scan3A_408 iter_args(%scan3A_459 = %scan3A_397) -> (vector<16xf32>)  : i32 {
      %mul3A_460 = arith.constant 16 : i32
      %mul3A_461 = arith.muli %scan3A_458, %mul3A_460 : i32
      %get3A = arith.index_cast %mul3A_461 : i32 to index
      %get3A_462 = tpu.vector_load %arg5[%get3A] {strides = array<i32>} : memref<32768xf32, #tpu.memory_space<vmem>>, vector<16xf32>,
      %get3A_463 = vector.shape_cast %get3A_462 : vector<16xf32> to vector<16xf32>
      %add3A_464 = arith.addf %scan3A_459, %get3A_463 : vector<16xf32>
      scf.yield %add3A_464 : vector<16xf32>
    }
    %scan3A_410 = arith.constant 2048 : i32
    %add3A_411 = arith.constant 1146880 : i32
    %add3A_412 = arith.addi %mul3A_2, %add3A_411 : i32
    %dma_start3A_413 = tpu.memref_slice %arg2[%add3A_412] : memref<39845888xf32, #tpu.memory_space<hbm>> -> memref<32768xf32, #tpu.memory_space<hbm>>
    %dma_start3A_414 = tpu.memref_slice %arg2[%add3A_412] : memref<39845888xf32, #tpu.memory_space<hbm>> -> memref<32768xf32, #tpu.memory_space<hbm>>
    tpu.enqueue_dma source(%dma_start3A_414 : memref<32768xf32, #tpu.memory_space<hbm>>) target(%arg5 : memref<32768xf32, #tpu.memory_space<vmem>>) target_semaphore(%arg8 : memref<!tpu.dma_semaphore, #tpu.memory_space<semaphore_mem>>)
    %dma_wait3A_415 = tpu.memref_slice %arg2[%add3A_400] : memref<39845888xf32, #tpu.memory_space<hbm>> -> memref<32768xf32, #tpu.memory_space<hbm>>
    %dma_wait3A_416 = tpu.memref_slice %arg2[%add3A_400] : memref<39845888xf32, #tpu.memory_space<hbm>> -> memref<32768xf32, #tpu.memory_space<hbm>>
    tpu.wait_dma2 semaphore(%arg7 : memref<!tpu.dma_semaphore, #tpu.memory_space<semaphore_mem>>) src(%dma_wait3A_416 : memref<32768xf32, #tpu.memory_space<hbm>>) dst(%arg4 : memref<32768xf32, #tpu.memory_space<vmem>>)
    %scan3A_417 = arith.constant 0 : i32
    %scan3A_418 = arith.constant 2048 : i32
    %scan3A_419 = arith.addi %scan3A_417, %scan3A_418 : i32
    %scan3A_420 = arith.constant 1 : i32
    %scan3A_421 = scf.for %scan3A_458 = %scan3A_417 to %scan3A_419 step %scan3A_420 iter_args(%scan3A_459 = %scan3A_409) -> (vector<16xf32>)  : i32 {
      %mul3A_460 = arith.constant 16 : i32
      %mul3A_461 = arith.muli %scan3A_458, %mul3A_460 : i32
      %get3A = arith.index_cast %mul3A_461 : i32 to index
      %get3A_462 = tpu.vector_load %arg4[%get3A] {strides = array<i32>} : memref<32768xf32, #tpu.memory_space<vmem>>, vector<16xf32>,
      %get3A_463 = vector.shape_cast %get3A_462 : vector<16xf32> to vector<16xf32>
      %add3A_464 = arith.addf %scan3A_459, %get3A_463 : vector<16xf32>
      scf.yield %add3A_464 : vector<16xf32>
    }
    %scan3A_422 = arith.constant 2048 : i32
    %add3A_423 = arith.constant 1179648 : i32
    %add3A_424 = arith.addi %mul3A_2, %add3A_423 : i32
    %dma_start3A_425 = tpu.memref_slice %arg2[%add3A_424] : memref<39845888xf32, #tpu.memory_space<hbm>> -> memref<32768xf32, #tpu.memory_space<hbm>>
    %dma_start3A_426 = tpu.memref_slice %arg2[%add3A_424] : memref<39845888xf32, #tpu.memory_space<hbm>> -> memref<32768xf32, #tpu.memory_space<hbm>>
    tpu.enqueue_dma source(%dma_start3A_426 : memref<32768xf32, #tpu.memory_space<hbm>>) target(%arg4 : memref<32768xf32, #tpu.memory_space<vmem>>) target_semaphore(%arg7 : memref<!tpu.dma_semaphore, #tpu.memory_space<semaphore_mem>>)
    %dma_wait3A_427 = tpu.memref_slice %arg2[%add3A_412] : memref<39845888xf32, #tpu.memory_space<hbm>> -> memref<32768xf32, #tpu.memory_space<hbm>>
    %dma_wait3A_428 = tpu.memref_slice %arg2[%add3A_412] : memref<39845888xf32, #tpu.memory_space<hbm>> -> memref<32768xf32, #tpu.memory_space<hbm>>
    tpu.wait_dma2 semaphore(%arg8 : memref<!tpu.dma_semaphore, #tpu.memory_space<semaphore_mem>>) src(%dma_wait3A_428 : memref<32768xf32, #tpu.memory_space<hbm>>) dst(%arg5 : memref<32768xf32, #tpu.memory_space<vmem>>)
    %scan3A_429 = arith.constant 0 : i32
    %scan3A_430 = arith.constant 2048 : i32
    %scan3A_431 = arith.addi %scan3A_429, %scan3A_430 : i32
    %scan3A_432 = arith.constant 1 : i32
    %scan3A_433 = scf.for %scan3A_458 = %scan3A_429 to %scan3A_431 step %scan3A_432 iter_args(%scan3A_459 = %scan3A_421) -> (vector<16xf32>)  : i32 {
      %mul3A_460 = arith.constant 16 : i32
      %mul3A_461 = arith.muli %scan3A_458, %mul3A_460 : i32
      %get3A = arith.index_cast %mul3A_461 : i32 to index
      %get3A_462 = tpu.vector_load %arg5[%get3A] {strides = array<i32>} : memref<32768xf32, #tpu.memory_space<vmem>>, vector<16xf32>,
      %get3A_463 = vector.shape_cast %get3A_462 : vector<16xf32> to vector<16xf32>
      %add3A_464 = arith.addf %scan3A_459, %get3A_463 : vector<16xf32>
      scf.yield %add3A_464 : vector<16xf32>
    }
    %scan3A_434 = arith.constant 2048 : i32
    %add3A_435 = arith.constant 1212416 : i32
    %add3A_436 = arith.addi %mul3A_2, %add3A_435 : i32
    %dma_start3A_437 = tpu.memref_slice %arg2[%add3A_436] : memref<39845888xf32, #tpu.memory_space<hbm>> -> memref<32768xf32, #tpu.memory_space<hbm>>
    %dma_start3A_438 = tpu.memref_slice %arg2[%add3A_436] : memref<39845888xf32, #tpu.memory_space<hbm>> -> memref<32768xf32, #tpu.memory_space<hbm>>
    tpu.enqueue_dma source(%dma_start3A_438 : memref<32768xf32, #tpu.memory_space<hbm>>) target(%arg5 : memref<32768xf32, #tpu.memory_space<vmem>>) target_semaphore(%arg8 : memref<!tpu.dma_semaphore, #tpu.memory_space<semaphore_mem>>)
    %dma_wait3A_439 = tpu.memref_slice %arg2[%add3A_424] : memref<39845888xf32, #tpu.memory_space<hbm>> -> memref<32768xf32, #tpu.memory_space<hbm>>
    %dma_wait3A_440 = tpu.memref_slice %arg2[%add3A_424] : memref<39845888xf32, #tpu.memory_space<hbm>> -> memref<32768xf32, #tpu.memory_space<hbm>>
    tpu.wait_dma2 semaphore(%arg7 : memref<!tpu.dma_semaphore, #tpu.memory_space<semaphore_mem>>) src(%dma_wait3A_440 : memref<32768xf32, #tpu.memory_space<hbm>>) dst(%arg4 : memref<32768xf32, #tpu.memory_space<vmem>>)
    %scan3A_441 = arith.constant 0 : i32
    %scan3A_442 = arith.constant 2048 : i32
    %scan3A_443 = arith.addi %scan3A_441, %scan3A_442 : i32
    %scan3A_444 = arith.constant 1 : i32
    %scan3A_445 = scf.for %scan3A_458 = %scan3A_441 to %scan3A_443 step %scan3A_444 iter_args(%scan3A_459 = %scan3A_433) -> (vector<16xf32>)  : i32 {
      %mul3A_460 = arith.constant 16 : i32
      %mul3A_461 = arith.muli %scan3A_458, %mul3A_460 : i32
      %get3A = arith.index_cast %mul3A_461 : i32 to index
      %get3A_462 = tpu.vector_load %arg4[%get3A] {strides = array<i32>} : memref<32768xf32, #tpu.memory_space<vmem>>, vector<16xf32>,
      %get3A_463 = vector.shape_cast %get3A_462 : vector<16xf32> to vector<16xf32>
      %add3A_464 = arith.addf %scan3A_459, %get3A_463 : vector<16xf32>
      scf.yield %add3A_464 : vector<16xf32>
    }
    %scan3A_446 = arith.constant 2048 : i32
    %dma_wait3A_447 = tpu.memref_slice %arg2[%add3A_436] : memref<39845888xf32, #tpu.memory_space<hbm>> -> memref<32768xf32, #tpu.memory_space<hbm>>
    %dma_wait3A_448 = tpu.memref_slice %arg2[%add3A_436] : memref<39845888xf32, #tpu.memory_space<hbm>> -> memref<32768xf32, #tpu.memory_space<hbm>>
    tpu.wait_dma2 semaphore(%arg8 : memref<!tpu.dma_semaphore, #tpu.memory_space<semaphore_mem>>) src(%dma_wait3A_448 : memref<32768xf32, #tpu.memory_space<hbm>>) dst(%arg5 : memref<32768xf32, #tpu.memory_space<vmem>>)
    %scan3A_449 = arith.constant 0 : i32
    %scan3A_450 = arith.constant 2048 : i32
    %scan3A_451 = arith.addi %scan3A_449, %scan3A_450 : i32
    %scan3A_452 = arith.constant 1 : i32
    %scan3A_453 = scf.for %scan3A_458 = %scan3A_449 to %scan3A_451 step %scan3A_452 iter_args(%scan3A_459 = %scan3A_445) -> (vector<16xf32>)  : i32 {
      %mul3A_460 = arith.constant 16 : i32
      %mul3A_461 = arith.muli %scan3A_458, %mul3A_460 : i32
      %get3A = arith.index_cast %mul3A_461 : i32 to index
      %get3A_462 = tpu.vector_load %arg5[%get3A] {strides = array<i32>} : memref<32768xf32, #tpu.memory_space<vmem>>, vector<16xf32>,
      %get3A_463 = vector.shape_cast %get3A_462 : vector<16xf32> to vector<16xf32>
      %add3A_464 = arith.addf %scan3A_459, %get3A_463 : vector<16xf32>
      scf.yield %add3A_464 : vector<16xf32>
    }
    %scan3A_454 = arith.constant 2048 : i32
    %swap3A = arith.constant 0 : index
    %swap3A_455 = tpu.vector_load %arg6[%swap3A] {strides = array<i32>} : memref<16xf32, #tpu.memory_space<vmem>>, vector<16xf32>,
    %swap3A_456 = vector.shape_cast %swap3A_455 : vector<16xf32> to vector<16xf32>
    %swap3A_457 = vector.shape_cast %scan3A_453 : vector<16xf32> to vector<16xf32>
    tpu.vector_store %arg6[%swap3A], %swap3A_457 {strides = array<i32>} : memref<16xf32, #tpu.memory_space<vmem>>, vector<16xf32>,
    "tpu.region"() ({
      %run_scoped3A = tpu.sem_alloc : memref<!tpu.dma_semaphore, #tpu.memory_space<semaphore_mem>>
      %dma_start3A_458 = arith.constant 0 : i32
      %dma_start3A_459 = tpu.memref_slice %arg3[%add3A, %dma_start3A_458] : memref<32x16xf32, #tpu.memory_space<hbm>> -> memref<1x16xf32, #tpu.memory_space<hbm>>
      %dma_start3A_460 = tpu.memref_squeeze %dma_start3A_459 : memref<1x16xf32, #tpu.memory_space<hbm>> -> memref<16xf32, #tpu.memory_space<hbm>>
      %dma_start3A_461 = arith.constant 0 : i32
      %dma_start3A_462 = tpu.memref_slice %arg3[%add3A, %dma_start3A_461] : memref<32x16xf32, #tpu.memory_space<hbm>> -> memref<1x16xf32, #tpu.memory_space<hbm>>
      %dma_start3A_463 = tpu.memref_squeeze %dma_start3A_462 : memref<1x16xf32, #tpu.memory_space<hbm>> -> memref<16xf32, #tpu.memory_space<hbm>>
      tpu.enqueue_dma source(%arg6 : memref<16xf32, #tpu.memory_space<vmem>>) target(%dma_start3A_463 : memref<16xf32, #tpu.memory_space<hbm>>) target_semaphore(%run_scoped3A : memref<!tpu.dma_semaphore, #tpu.memory_space<semaphore_mem>>)
      %dma_wait3A_464 = arith.constant 0 : i32
      %dma_wait3A_465 = tpu.memref_slice %arg3[%add3A, %dma_wait3A_464] : memref<32x16xf32, #tpu.memory_space<hbm>> -> memref<1x16xf32, #tpu.memory_space<hbm>>
      %dma_wait3A_466 = tpu.memref_squeeze %dma_wait3A_465 : memref<1x16xf32, #tpu.memory_space<hbm>> -> memref<16xf32, #tpu.memory_space<hbm>>
      %dma_wait3A_467 = arith.constant 0 : i32
      %dma_wait3A_468 = tpu.memref_slice %arg3[%add3A, %dma_wait3A_467] : memref<32x16xf32, #tpu.memory_space<hbm>> -> memref<1x16xf32, #tpu.memory_space<hbm>>
      %dma_wait3A_469 = tpu.memref_squeeze %dma_wait3A_468 : memref<1x16xf32, #tpu.memory_space<hbm>> -> memref<16xf32, #tpu.memory_space<hbm>>
      tpu.wait_dma2 semaphore(%run_scoped3A : memref<!tpu.dma_semaphore, #tpu.memory_space<semaphore_mem>>) src(%arg6 : memref<16xf32, #tpu.memory_space<vmem>>) dst(%dma_wait3A_469 : memref<16xf32, #tpu.memory_space<hbm>>)
      tpu.yield
    }) : () -> ()
    return
  }
}

</mosaic_0001>

<sc_bundles>
// kernel: kernel.3.cloned.1.call-start
scs
__scs_entry_jumppad:
0x0: {  	(pc) =	sbr.rel $0x88, $3  }
0x1: {  	(tag) =	ssettag $0x0;
	lr =	simm.s32 $0x1  }
0x2: {  	[smem:$0x3FA0] =	sst lr;
	_ =	strace $0xD0000000  }
0x3: {  	_ = 	snop  }
0x4: {  	_ = 	snop  }
0x5: {  	_ = 	snop  }
0x6: {  	_ = 	snop  }
0x7: {  	_ = 	snop  }
__scs_overlays_trampoline_lowered:
0x8: {  	[smem:$0x3FAF] =	sst s0  }
0x9: {  	[smem:$0x3FB0] =	sst s1  }
0xa: {  	[smem:$0x3FB1] =	sst s2  }
0xb: {  	[smem:$0x3FB2] =	sst s3  }
0xc: {  	[smem:$0x3FB3] =	sst s4  }
0xd: {  	[smem:$0x3FB4] =	sst s5  }
0xe: {  	[smem:$0x3FB5] =	sst s6  }
0xf: {  	[smem:$0x3FB6] =	sst s7  }
0x10: {  	[smem:$0x3FB7] =	sst s8  }
0x11: {  	[smem:$0x3FB8] =	sst s9;
	s0 =	simm.s32 @!p0 $0x0  }
0x12: {  	s1 =	sld [smem:$0x3F9E];
	s0 =	simm.s32 @p0 $0x1  }
0x13: {  	[smem:$0x3FB9] =	sst s0;
	s0 =	simm.s32 @!p1 $0x0  }
0x14: {  	s2 =	sld [smem:$0x3F9D];
	s0 =	simm.s32 @p1 $0x1  }
0x15: {  	[smem:$0x3FBA] =	sst s0;
	s0 =	simm.s32 @!p2 $0x0  }
0x16: {  	s3 =	sld [smem:$0x3FDB];
	s0 =	simm.s32 @p2 $0x1  }
0x17: {  	s4 =	simm.s32 $0x1BF5;
	[smem:$0x3FBC] =	sst s0  }
0x18: {  	s0 =	sld [smem:$0x3F9F];
	_ =	swait.ge [sflag:s4], $0x0  }
0x19: {  	s7 =	sld [smem:$0x3FA0]  }
0x1a: {  	s8 =	sadd.s32 $0xFFFFE003, lr  }
0x1b: {  	s9 =	sadd.s32 $0xFFFFFEF7, lr;
	s5 =	simm.s32 $0xFFFFFFFF;
	p2 =	slt.u32 s8, $0xFFFFF086  }
0x1c: {  	p1 =	slt.u32 s9, $0xF7A;
	s5 =	simm.s32 @!p2 $0x0  }
0x1d: {  	s5 =	simm.s32 @p1 $0x1;
	p0 =	seq.s32 s7, s2  }
0x1e: {  	s7 =	smul.u32 @!p0 $0xF7A, s2;
	p2 =	seq.s32 @!p0 s5, $0x0  }
0x1f: {  	s9 =	smul.u32 $0xF7A, s1;
	s8 =	simm.s32 @!p0 $0x1BF5;
	p2 =	por !p2, p0  }
0x20: {  	[sflag:s8] =	ssyncset.s32 @!p0 $0xFFFFF086;
	s6 =	sadd.s32 @!p0 s3, s7;
	s7 =	simm.s32 @!p0 $0x108  }
0x21: {  	s3 =	sadd.s32 s3, s9;
	s6 =	sadd.s32 @!p0 $0x88, s6;
	s7 =	simm.s32 @p2 $0x1082  }
0x22: {  	[simem:s7], [sflag:s8] =	dma.local @!p0 [hbm:s6], $0xF7A  }
0x23: {  	s9 =	sor.u32 $0xD0000000, s2;
	s6 =	simm.s32 $0x108;
	_ =	swait.ge @!p0 [sflag:s8], $0x0  }
0x24: {  	s3 =	sadd.s32 $0x88, s3;
	s6 =	simm.s32 @!p1 $0x1082;
	[sflag:s4] =	ssyncset.s32 $0xFFFFF086  }
0x25: {  	[simem:s6], [sflag:s4] =	dma.local [hbm:s3], $0xF7A  }
0x26: {  	[smem:$0x3FA0] =	sst s1;
	(tag) =	ssettag s2;
	_ =	strace s9  }
0x27: {  	s1 =	sld [smem:$0x3FB0]  }
0x28: {  	s2 =	sld [smem:$0x3FB1]  }
0x29: {  	s4 =	sld [smem:$0x3FB3]  }
0x2a: {  	p0 =	seq.s32 s5, $0x0;
	s5 =	sld [smem:$0x3FB4]  }
0x2b: {  	s6 =	sld [smem:$0x3FB5]  }
0x2c: {  	s7 =	sld [smem:$0x3FB6]  }
0x2d: {  	s3 =	simm.s32 $0x108;
	s8 =	sld [smem:$0x3FB7]  }
0x2e: {  	s3 =	simm.s32 @!p0 $0x1082;
	s9 =	sld [smem:$0x3FB8]  }
0x2f: {  	lr =	sadd.s32 s0, s3;
	s0 =	sld [smem:$0x3FAF]  }
0x30: {  	s3 =	sld [smem:$0x3FB2]  }
0x31: {  	[smem:$0x3FBB] =	sst s10  }
0x32: {  	s10 =	sld [smem:$0x3FB9];
	_ =	sdelay $0x3  }
0x33: {  	p0 =	seq.s32 s10, $0x1;
	s10 =	sld [smem:$0x3FBB];
	_ =	sdelay $0x3  }
0x34: {  	[smem:$0x3FBB] =	sst s10  }
0x35: {  	s10 =	sld [smem:$0x3FBA];
	_ =	sdelay $0x3  }
0x36: {  	p1 =	seq.s32 s10, $0x1;
	s10 =	sld [smem:$0x3FBB];
	_ =	sdelay $0x3  }
0x37: {  	[smem:$0x3FBB] =	sst s10  }
0x38: {  	s10 =	sld [smem:$0x3FBC]  }
0x39: {  	_ = 	snop;
	(pc) =	sbr.ind lr, $3  }
0x3a: {  	_ = 	snop  }
0x3b: {  	_ = 	snop  }
0x3c: {  	p2 =	seq.s32 s10, $0x1;
	s10 =	sld [smem:$0x3FBB]  }
0x3d: {  	_ =	shalt  }
0x3e: {  	_ =	shalt  }
0x3f: {  	_ =	shalt  }
0x40: {  	_ =	shalt  }
0x41: {  	_ =	shalt  }
0x42: {  	_ =	shalt  }
0x43: {  	_ =	shalt  }
0x44: {  	_ =	shalt  }
0x45: {  	_ =	shalt  }
0x46: {  	_ =	shalt  }
0x47: {  	_ =	shalt  }
0x48: {  	_ =	shalt  }
0x49: {  	_ =	shalt  }
0x4a: {  	_ =	shalt  }
0x4b: {  	_ =	shalt  }
0x4c: {  	_ =	shalt  }
0x4d: {  	_ =	shalt  }
0x4e: {  	_ =	shalt  }
0x4f: {  	_ =	shalt  }
0x50: {  	_ =	shalt  }
0x51: {  	_ =	shalt  }
0x52: {  	_ =	shalt  }
0x53: {  	_ =	shalt  }
0x54: {  	_ =	shalt  }
0x55: {  	_ =	shalt  }
0x56: {  	_ =	shalt  }
0x57: {  	_ =	shalt  }
0x58: {  	_ =	shalt  }
0x59: {  	_ =	shalt  }
0x5a: {  	_ =	shalt  }
0x5b: {  	_ =	shalt  }
0x5c: {  	_ =	shalt  }
0x5d: {  	_ =	shalt  }
0x5e: {  	_ =	shalt  }
0x5f: {  	_ =	shalt  }
0x60: {  	_ =	shalt  }
0x61: {  	_ =	shalt  }
0x62: {  	_ =	shalt  }
0x63: {  	_ =	shalt  }
0x64: {  	_ =	shalt  }
0x65: {  	_ =	shalt  }
0x66: {  	_ =	shalt  }
0x67: {  	_ =	shalt  }
0x68: {  	_ =	shalt  }
0x69: {  	_ =	shalt  }
0x6a: {  	_ =	shalt  }
0x6b: {  	_ =	shalt  }
0x6c: {  	_ =	shalt  }
0x6d: {  	_ =	shalt  }
0x6e: {  	_ =	shalt  }
0x6f: {  	_ =	shalt  }
0x70: {  	_ =	shalt  }
0x71: {  	_ =	shalt  }
0x72: {  	_ =	shalt  }
0x73: {  	_ =	shalt  }
0x74: {  	_ =	shalt  }
0x75: {  	_ =	shalt  }
0x76: {  	_ =	shalt  }
0x77: {  	_ =	shalt  }
0x78: {  	_ =	shalt  }
0x79: {  	_ =	shalt  }
0x7a: {  	_ =	shalt  }
0x7b: {  	_ =	shalt  }
0x7c: {  	_ =	shalt  }
0x7d: {  	_ =	shalt  }
0x7e: {  	_ =	shalt  }
0x7f: {  	_ =	shalt  }
0x80: {  	_ =	shalt  }
0x81: {  	_ =	shalt  }
0x82: {  	_ =	shalt  }
0x83: {  	_ =	shalt  }
0x84: {  	_ =	shalt  }
0x85: {  	_ =	shalt  }
0x86: {  	_ =	shalt  }
0x87: {  	_ =	shalt  }
.Lfunc_end0:
.L_simem_size_0:
called_computation.1_lowered:
.L_overlay_start_0:
0x88: {  	s2 =	sld [smem:$0x3FD9]  }
0x89: {  	s3 =	sld [smem:$0x3FFE];
	_ =	sdelay $0x1  }
0x8a: {  	s1 =	srdreg.scid  }
0x8b: {  	s0 =	sand.u32 $0x1, s1  }
0x8c: {  	s16 =	sshll.u32 s0, $0xA;
	s2 =	sadd.s32 s3, s2  }
0x8d: {  	s2 =	sadd.s32 s2, s16  }
0x8e: {  	[smem:$0x3FC7] =	sst s2  }
0x8f: {  	_ = 	snop  }
0x90: {  	(tm) =	ssettm $0x1  }
0x91: {  	s17 =	sld [smem:$0x3FFB];
	_ =	sdelay $0x3  }
0x92: {  	_ =	strace s17  }
0x93: {  	s2 =	sld [smem:$0x3FFC];
	_ =	sdelay $0x3  }
0x94: {  	_ =	strace s2  }
0x95: {  	s2 =	sld [smem:$0x3FFD];
	_ =	sdelay $0x3  }
0x96: {  	_ =	strace s2  }
0x97: {  	_ =	strace $0x8FFFFFFF  }
0x98: {  	s18 =	sld [smem:$0x3FDB];
	_ =	sdelay $0x1  }
0x99: {  	s19 =	simm.s32 $_scs_section_size  }
0x9a: {  	s4 =	simm.s32 $_size__tile_overlayer_lowered;
	s5 =	simm.s32 $_tile_overlayer_lowered  }
0x9b: {  	s22 =	simm.s32 $0x1BFF;
	s21 =	sshll.u32 s5, $0x1;
	s2 =	sadd.s32 s19, s18  }
0x9c: {  	s6 =	simm.s32 $0x0;
	s20 =	sshll.u32 s4, $0x1;
	s4 =	sadd.s32 s21, s2  }
0x9d: {  	[timem:s6], [sflag:s22] =	dma.local [hbm:s4], s20  }
0x9e: {  	_ =	swait.ge [sflag:s22], s20  }
0x9f: {  	s3 =	ssub.s32 $0x0, s20;
	[sflag:s22] =	ssyncset.done $0x0  }
0xa0: {  	[sflag:s22] =	ssyncadd.s32 s3;
	_ =	sdelay $0x1  }
0xa1: {  	s23 =	simm.s32 $0x1B8B  }
0xa2: {  	_ =	swait.ge [sflag:s23], $0x1  }
0xa3: {  	[sflag:s23] =	ssyncset.done $0x0  }
0xa4: {  	s25 =	simm.s32 $0x1B8E;
	s24 =	sld [smem:$0x3FFE];
	[sflag:s23] =	ssyncadd.s32 $0xFFFFFFFF  }
0xa5: {  	s26 =	simm.s32 $execute0_lowered;
	[smem:$0x3FD2] =	sst s25  }
0xa6: {  	s4 =	sshll.u32 s26, $0x1;
	_ =	strace $0x80000049;
	[dreg:$0x1] =	wrdreg $0xFFFFFFFF  }
0xa7: {  	s28 =	simm.s32 $_size_execute0_lowered;
	s2 =	sadd.s32 s2, s4;
	[dreg:$0x0] =	wrdreg $0x0  }
0xa8: {  	s4 =	sshll.u32 s28, $0x1;
	[dreg:$0x2] =	wrdreg s2  }
0xa9: {  	[dreg:$0x3] =	wrdreg s4  }
0xaa: {  	[dreg:$0x4] =	wrdreg $0xC0  }
0xab: {  	_ =	task [dreg:s6], $0x5FFFF  }
0xac: {  	[dreg:$0x1] =	wrdreg $0xFFFFFFFF  }
0xad: {  	[dreg:$0x0] =	wrdreg $0x60  }
0xae: {  	[dreg:$0x2] =	wrdreg s24  }
0xaf: {  	[dreg:$0x3] =	wrdreg $0x9  }
0xb0: {  	_ =	task.clear_ibuf [dreg:s6], $0x4FFFF;
	_ =	strace $0x90000049  }
0xb1: {  	s29 =	simm.s32 $0x9;
	_ =	strace $0x8000004B  }
0xb2: {  	_ =	swait.ge [sflag:s29], $0x1  }
0xb3: {  	[sflag:s29] =	ssyncadd.s32 $0xFFFFFFFF  }
0xb4: {  	_ =	strace $0x9000004B  }
0xb5: {  	_ =	sfence  }
0xb6: {  	s30 =	sld [smem:$0x0];
	_ =	sdelay $0x2  }
0xb7: {  	s31 =	sshll.u32 s1, $0xD;
	s1 =	sshrl.u32 s1, $0x2  }
0xb8: {  	s3 =	sand.u32 $0x4000, s31;
	s1 =	sadd.s32 s1, s30  }
0xb9: {  	s0 =	sor.u32 s3, s0;
	s1 =	sshll.u32 s1, $0x11  }
0xba: {  	s0 =	sor.u32 s1, s0  }
0xbb: {  	s0 =	sadd.s32 $0x8F2B, s0  }
0xbc: {  	[sflag:s0] =	ssyncadd.remote.s32 $0x1  }
0xbd: {  	_ =	sfence.sel $0xFFFF  }
0xbe: {  	[dreg:$0x0] =	wrdreg $0xFFFFFFFF;
	(pc) =	sbr.abs _section_cstart, $3  }
0xbf: {  	[dreg:$0x1] =	wrdreg $0xFFFFFFFF  }
0xc0: {  	_ =	task.clear_ibuf [dreg:s6], $0x2FFFF;
	_ =	strace $0x9FFFFFFF  }
0xc1: {  	(tm) =	ssettm $0x7FFFFFFF  }
tec
execute0_lowered:
.L_overlay_start_1:
0x0: {  	(tag) =	ssettag $0x1  }
0x1: {  	s0 =	srdreg.scid;
	s1 =	stileid.u32  }
0x2: {  	s0 =	sand.u32 $0x1, s0;
	s1 =	sshll.u32 s1, $0x1  }
0x3: {  	s1 =	sor.u32 s0, s1  }
0x4: {  	s4 =	smul.u32 $0x130000, s1;
	_ =	sdelay $0x1  }
0x5: {  	s3 =	rddreg [dreg:$0x0];
	s2 =	simm.s32 $0x0;
	s4 =	sshrl.u32 s4, $0x3  }
0x6: {  	[smem:$0x7FF] =	sst s2;
	s10 =	sadd.s32 s4, s3  }
0x7: {  	_ =	strace $0x8000004A;
	s7 =	sadd.s32 $0x400, s10  }
0x8: {  	s0 =	ssub.s32 $0x2, s0;
	s8 =	sadd.s32 $0x1400, s10;
	[dreg:$0x2] =	wrdreg s7  }
0x9: {  	s1 =	sshll.u32 s1, $0x4;
	s9 =	sadd.s32 $0x2400, s10;
	[dreg:$0x3] =	wrdreg s8  }
0xa: {  	s6 =	sshrl.u32 s0, $0x1;
	s13 =	sadd.s32 $0x3400, s10;
	[dreg:$0x4] =	wrdreg s9  }
0xb: {  	s11 =	sadd.s32 s1, s3;
	s14 =	sadd.s32 $0x4400, s10;
	[dreg:$0x5] =	wrdreg s13  }
0xc: {  	s12 =	ssub.s32 s0, s6;
	s15 =	sadd.s32 $0x5400, s10;
	[dreg:$0x6] =	wrdreg s14  }
0xd: {  	s11 =	sadd.s32 $0x4C0400, s11;
	s16 =	sadd.s32 $0x6400, s10;
	[dreg:$0x7] =	wrdreg s15  }
0xe: {  	s12 =	smax.u32 s12, $0x1;
	s17 =	sadd.s32 $0x7400, s10;
	[dreg:$0x8] =	wrdreg s16  }
0xf: {  	s18 =	sadd.s32 $0x8400, s10;
	s19 =	sadd.s32 $0x9400, s10;
	[dreg:$0x9] =	wrdreg s17  }
0x10: {  	s20 =	sadd.s32 $0xA400, s10;
	s21 =	sadd.s32 $0xB400, s10;
	[dreg:$0xa] =	wrdreg s18  }
0x11: {  	s22 =	sadd.s32 $0xC400, s10;
	s23 =	sadd.s32 $0xD400, s10;
	[dreg:$0xb] =	wrdreg s19  }
0x12: {  	s24 =	sadd.s32 $0xE400, s10;
	s25 =	sadd.s32 $0xF400, s10;
	[dreg:$0xc] =	wrdreg s20  }
0x13: {  	s26 =	sadd.s32 $0x10400, s10;
	s28 =	sadd.s32 $0x18400, s10;
	[dreg:$0xd] =	wrdreg s21  }
0x14: {  	s29 =	sadd.s32 $0x19400, s10;
	s30 =	sadd.s32 $0x1A400, s10;
	[dreg:$0xe] =	wrdreg s22  }
0x15: {  	s31 =	sadd.s32 $0x1B400, s10;
	s1 =	sadd.s32 $0x1C400, s10;
	[dreg:$0xf] =	wrdreg s23  }
0x16: {  	s0 =	sadd.s32 $0x1D400, s10;
	s3 =	sadd.s32 $0x1E400, s10;
	[dreg:$0x10] =	wrdreg s24  }
0x17: {  	s4 =	sadd.s32 $0x1F400, s10;
	s5 =	sadd.s32 $0x20400, s10;
	[dreg:$0x11] =	wrdreg s25  }
0x18: {  	s6 =	sadd.s32 $0x21400, s10;
	[dreg:$0x12] =	wrdreg s26;
	s20 =	sadd.s32 $0x11400, s10  }
0x19: {  	s21 =	sadd.s32 $0x12400, s10;
	s22 =	sadd.s32 $0x13400, s10;
	s23 =	sadd.s32 $0x14400, s10  }
0x1a: {  	s24 =	sadd.s32 $0x15400, s10;
	s25 =	sadd.s32 $0x16400, s10;
	s26 =	sadd.s32 $0x17400, s10  }
0x1b: {  	s7 =	sadd.s32 $0x22400, s10;
	s8 =	sadd.s32 $0x23400, s10;
	s9 =	sadd.s32 $0x24400, s10  }
0x1c: {  	s10 =	sadd.s32 $0x25400, s10;
	s13 =	simm.s32 $0x8000;
	s14 =	simm.s32 $0x1  }
0x1d: {  	s15 =	simm.s32 $0x2;
	s16 =	simm.s32 $0x3;
	s17 =	simm.s32 $0x0  }
.LBB2_1:
0x1e: {  	s18 =	rddreg [dreg:$0x2]  }
0x1f: {  	[tilespmem:s2], [sflag:$0x1] =	stream.linear.gather [hbm4b:s18+s2], $0x8000, $0x38;
	[tilespmem:$0x10080] =	vst v63  }
0x20: {  	s19 =	rddreg [dreg:$0x3]  }
0x21: {  	[tilespmem:s13], [sflag:$0x2] =	stream.linear.gather [hbm4b:s19+s2], $0x8000, $0x38;
	[tilespmem:$0x10080] =	vst v63  }
0x22: {  	_ =	swait.ge [sflag:s14], $0x8000  }
0x23: {  	[sflag:s14] =	ssyncset.done $0x0  }
0x24: {  	s19 =	simm.s32 $0x0;
	[sflag:s14] =	ssyncadd.s32 $0xFFFF8000  }
0x25: {  	v0 =	vimm.f32 $0.0e+00;
	s18 =	simm.s32 $0x40;
	v1 =	vld [tilespmem:s19+$0x0]  }
.LBB2_2:
0x26: {  	p0 =	sne.s32 s18, $0x1FFC0  }
.Ltmp0:
0x27: {  	_ = 	snop;
	(pc) =	sbr.rel @p0 .LBB2_2-.Ltmp0, $3  }
0x28: {  	_ =	sdelay $0x1  }
0x29: {  	s19 =	sshra.s32 s18, $0x2;
	s18 =	sadd.s32 $0x40, s18;
	v0 =	vadd.f32 v1, v0  }
0x2a: {  	v1 =	vld [tilespmem:s19+$0x0]  }
0x2b: {  	s18 =	simm.s32 $0x0;
	s19 =	rddreg [dreg:$0x4]  }
0x2c: {  	[tilespmem:s18], [sflag:$0x1] =	stream.linear.gather [hbm4b:s19+s18], $0x8000, $0x38;
	[tilespmem:$0x10080] =	vst v63  }
0x2d: {  	_ =	swait.ge [sflag:s15], $0x8000  }
0x2e: {  	[sflag:s15] =	ssyncset.done $0x0  }
0x2f: {  	s19 =	simm.s32 $0x0;
	[sflag:s15] =	ssyncadd.s32 $0xFFFF8000  }
0x30: {  	s18 =	simm.s32 $0x40;
	v0 =	vadd.f32 v1, v0;
	v1 =	vld [tilespmem:s19+$0x8000]  }
.LBB2_4:
0x31: {  	p0 =	sne.s32 s18, $0x1FFC0  }
.Ltmp1:
0x32: {  	_ = 	snop;
	(pc) =	sbr.rel @p0 .LBB2_4-.Ltmp1, $3  }
0x33: {  	_ =	sdelay $0x1  }
0x34: {  	s19 =	sshra.s32 s18, $0x2;
	s18 =	sadd.s32 $0x40, s18;
	v0 =	vadd.f32 v1, v0  }
0x35: {  	v1 =	vld [tilespmem:s19+$0x8000]  }
0x36: {  	s18 =	simm.s32 $0x0;
	s19 =	rddreg [dreg:$0x5]  }
0x37: {  	[tilespmem:s13], [sflag:$0x2] =	stream.linear.gather [hbm4b:s19+s18], $0x8000, $0x38;
	[tilespmem:$0x10080] =	vst v63  }
0x38: {  	_ =	swait.ge [sflag:s14], $0x8000  }
0x39: {  	[sflag:s14] =	ssyncset.done $0x0  }
0x3a: {  	s19 =	simm.s32 $0x0;
	[sflag:s14] =	ssyncadd.s32 $0xFFFF8000  }
0x3b: {  	s18 =	simm.s32 $0x40;
	v0 =	vadd.f32 v1, v0;
	v1 =	vld [tilespmem:s19+$0x0]  }
.LBB2_6:
0x3c: {  	p0 =	sne.s32 s18, $0x1FFC0  }
.Ltmp2:
0x3d: {  	_ = 	snop;
	(pc) =	sbr.rel @p0 .LBB2_6-.Ltmp2, $3  }
0x3e: {  	_ =	sdelay $0x1  }
0x3f: {  	s19 =	sshra.s32 s18, $0x2;
	s18 =	sadd.s32 $0x40, s18;
	v0 =	vadd.f32 v1, v0  }
0x40: {  	v1 =	vld [tilespmem:s19+$0x0]  }
0x41: {  	s18 =	simm.s32 $0x0;
	s19 =	rddreg [dreg:$0x6]  }
0x42: {  	[tilespmem:s18], [sflag:$0x1] =	stream.linear.gather [hbm4b:s19+s18], $0x8000, $0x38;
	[tilespmem:$0x10080] =	vst v63  }
0x43: {  	_ =	swait.ge [sflag:s15], $0x8000  }
0x44: {  	[sflag:s15] =	ssyncset.done $0x0  }
0x45: {  	s19 =	simm.s32 $0x0;
	[sflag:s15] =	ssyncadd.s32 $0xFFFF8000  }
0x46: {  	s18 =	simm.s32 $0x40;
	v0 =	vadd.f32 v1, v0;
	v1 =	vld [tilespmem:s19+$0x8000]  }
.LBB2_8:
0x47: {  	p0 =	sne.s32 s18, $0x1FFC0  }
.Ltmp3:
0x48: {  	_ = 	snop;
	(pc) =	sbr.rel @p0 .LBB2_8-.Ltmp3, $3  }
0x49: {  	_ =	sdelay $0x1  }
0x4a: {  	s19 =	sshra.s32 s18, $0x2;
	s18 =	sadd.s32 $0x40, s18;
	v0 =	vadd.f32 v1, v0  }
0x4b: {  	v1 =	vld [tilespmem:s19+$0x8000]  }
0x4c: {  	s18 =	simm.s32 $0x0;
	s19 =	rddreg [dreg:$0x7]  }
0x4d: {  	[tilespmem:s13], [sflag:$0x2] =	stream.linear.gather [hbm4b:s19+s18], $0x8000, $0x38;
	[tilespmem:$0x10080] =	vst v63  }
0x4e: {  	_ =	swait.ge [sflag:s14], $0x8000  }
0x4f: {  	[sflag:s14] =	ssyncset.done $0x0  }
0x50: {  	s19 =	simm.s32 $0x0;
	[sflag:s14] =	ssyncadd.s32 $0xFFFF8000  }
0x51: {  	s18 =	simm.s32 $0x40;
	v0 =	vadd.f32 v1, v0;
	v1 =	vld [tilespmem:s19+$0x0]  }
.LBB2_10:
0x52: {  	p0 =	sne.s32 s18, $0x1FFC0  }
.Ltmp4:
0x53: {  	_ = 	snop;
	(pc) =	sbr.rel @p0 .LBB2_10-.Ltmp4, $3  }
0x54: {  	_ =	sdelay $0x1  }
0x55: {  	s19 =	sshra.s32 s18, $0x2;
	s18 =	sadd.s32 $0x40, s18;
	v0 =	vadd.f32 v1, v0  }
0x56: {  	v1 =	vld [tilespmem:s19+$0x0]  }
0x57: {  	s18 =	simm.s32 $0x0;
	s19 =	rddreg [dreg:$0x8]  }
0x58: {  	[tilespmem:s18], [sflag:$0x1] =	stream.linear.gather [hbm4b:s19+s18], $0x8000, $0x38;
	[tilespmem:$0x10080] =	vst v63  }
0x59: {  	_ =	swait.ge [sflag:s15], $0x8000  }
0x5a: {  	[sflag:s15] =	ssyncset.done $0x0  }
0x5b: {  	s19 =	simm.s32 $0x0;
	[sflag:s15] =	ssyncadd.s32 $0xFFFF8000  }
0x5c: {  	s18 =	simm.s32 $0x40;
	v0 =	vadd.f32 v1, v0;
	v1 =	vld [tilespmem:s19+$0x8000]  }
.LBB2_12:
0x5d: {  	p0 =	sne.s32 s18, $0x1FFC0  }
.Ltmp5:
0x5e: {  	_ = 	snop;
	(pc) =	sbr.rel @p0 .LBB2_12-.Ltmp5, $3  }
0x5f: {  	_ =	sdelay $0x1  }
0x60: {  	s19 =	sshra.s32 s18, $0x2;
	s18 =	sadd.s32 $0x40, s18;
	v0 =	vadd.f32 v1, v0  }
0x61: {  	v1 =	vld [tilespmem:s19+$0x8000]  }
0x62: {  	s18 =	simm.s32 $0x0;
	s19 =	rddreg [dreg:$0x9]  }
0x63: {  	[tilespmem:s13], [sflag:$0x2] =	stream.linear.gather [hbm4b:s19+s18], $0x8000, $0x38;
	[tilespmem:$0x10080] =	vst v63  }
0x64: {  	_ =	swait.ge [sflag:s14], $0x8000  }
0x65: {  	[sflag:s14] =	ssyncset.done $0x0  }
0x66: {  	s19 =	simm.s32 $0x0;
	[sflag:s14] =	ssyncadd.s32 $0xFFFF8000  }
0x67: {  	s18 =	simm.s32 $0x40;
	v0 =	vadd.f32 v1, v0;
	v1 =	vld [tilespmem:s19+$0x0]  }
.LBB2_14:
0x68: {  	p0 =	sne.s32 s18, $0x1FFC0  }
.Ltmp6:
0x69: {  	_ = 	snop;
	(pc) =	sbr.rel @p0 .LBB2_14-.Ltmp6, $3  }
0x6a: {  	_ =	sdelay $0x1  }
0x6b: {  	s19 =	sshra.s32 s18, $0x2;
	s18 =	sadd.s32 $0x40, s18;
	v0 =	vadd.f32 v1, v0  }
0x6c: {  	v1 =	vld [tilespmem:s19+$0x0]  }
0x6d: {  	s18 =	simm.s32 $0x0;
	s19 =	rddreg [dreg:$0xa]  }
0x6e: {  	[tilespmem:s18], [sflag:$0x1] =	stream.linear.gather [hbm4b:s19+s18], $0x8000, $0x38;
	[tilespmem:$0x10080] =	vst v63  }
0x6f: {  	_ =	swait.ge [sflag:s15], $0x8000  }
0x70: {  	[sflag:s15] =	ssyncset.done $0x0  }
0x71: {  	s19 =	simm.s32 $0x0;
	[sflag:s15] =	ssyncadd.s32 $0xFFFF8000  }
0x72: {  	s18 =	simm.s32 $0x40;
	v0 =	vadd.f32 v1, v0;
	v1 =	vld [tilespmem:s19+$0x8000]  }
.LBB2_16:
0x73: {  	p0 =	sne.s32 s18, $0x1FFC0  }
.Ltmp7:
0x74: {  	_ = 	snop;
	(pc) =	sbr.rel @p0 .LBB2_16-.Ltmp7, $3  }
0x75: {  	_ =	sdelay $0x1  }
0x76: {  	s19 =	sshra.s32 s18, $0x2;
	s18 =	sadd.s32 $0x40, s18;
	v0 =	vadd.f32 v1, v0  }
0x77: {  	v1 =	vld [tilespmem:s19+$0x8000]  }
0x78: {  	s18 =	simm.s32 $0x0;
	s19 =	rddreg [dreg:$0xb]  }
0x79: {  	[tilespmem:s13], [sflag:$0x2] =	stream.linear.gather [hbm4b:s19+s18], $0x8000, $0x38;
	[tilespmem:$0x10080] =	vst v63  }
0x7a: {  	_ =	swait.ge [sflag:s14], $0x8000  }
0x7b: {  	[sflag:s14] =	ssyncset.done $0x0  }
0x7c: {  	s19 =	simm.s32 $0x0;
	[sflag:s14] =	ssyncadd.s32 $0xFFFF8000  }
0x7d: {  	s18 =	simm.s32 $0x40;
	v0 =	vadd.f32 v1, v0;
	v1 =	vld [tilespmem:s19+$0x0]  }
.LBB2_18:
0x7e: {  	p0 =	sne.s32 s18, $0x1FFC0  }
.Ltmp8:
0x7f: {  	_ = 	snop;
	(pc) =	sbr.rel @p0 .LBB2_18-.Ltmp8, $3  }
0x80: {  	_ =	sdelay $0x1  }
0x81: {  	s19 =	sshra.s32 s18, $0x2;
	s18 =	sadd.s32 $0x40, s18;
	v0 =	vadd.f32 v1, v0  }
0x82: {  	v1 =	vld [tilespmem:s19+$0x0]  }
0x83: {  	s18 =	simm.s32 $0x0;
	s19 =	rddreg [dreg:$0xc]  }
0x84: {  	[tilespmem:s18], [sflag:$0x1] =	stream.linear.gather [hbm4b:s19+s18], $0x8000, $0x38;
	[tilespmem:$0x10080] =	vst v63  }
0x85: {  	_ =	swait.ge [sflag:s15], $0x8000  }
0x86: {  	[sflag:s15] =	ssyncset.done $0x0  }
0x87: {  	s19 =	simm.s32 $0x0;
	[sflag:s15] =	ssyncadd.s32 $0xFFFF8000  }
0x88: {  	s18 =	simm.s32 $0x40;
	v0 =	vadd.f32 v1, v0;
	v1 =	vld [tilespmem:s19+$0x8000]  }
.LBB2_20:
0x89: {  	p0 =	sne.s32 s18, $0x1FFC0  }
.Ltmp9:
0x8a: {  	_ = 	snop;
	(pc) =	sbr.rel @p0 .LBB2_20-.Ltmp9, $3  }
0x8b: {  	_ =	sdelay $0x1  }
0x8c: {  	s19 =	sshra.s32 s18, $0x2;
	s18 =	sadd.s32 $0x40, s18;
	v0 =	vadd.f32 v1, v0  }
0x8d: {  	v1 =	vld [tilespmem:s19+$0x8000]  }
0x8e: {  	s18 =	simm.s32 $0x0;
	s19 =	rddreg [dreg:$0xd]  }
0x8f: {  	[tilespmem:s13], [sflag:$0x2] =	stream.linear.gather [hbm4b:s19+s18], $0x8000, $0x38;
	[tilespmem:$0x10080] =	vst v63  }
0x90: {  	_ =	swait.ge [sflag:s14], $0x8000  }
0x91: {  	[sflag:s14] =	ssyncset.done $0x0  }
0x92: {  	s19 =	simm.s32 $0x0;
	[sflag:s14] =	ssyncadd.s32 $0xFFFF8000  }
0x93: {  	s18 =	simm.s32 $0x40;
	v0 =	vadd.f32 v1, v0;
	v1 =	vld [tilespmem:s19+$0x0]  }
.LBB2_22:
0x94: {  	p0 =	sne.s32 s18, $0x1FFC0  }
.Ltmp10:
0x95: {  	_ = 	snop;
	(pc) =	sbr.rel @p0 .LBB2_22-.Ltmp10, $3  }
0x96: {  	_ =	sdelay $0x1  }
0x97: {  	s19 =	sshra.s32 s18, $0x2;
	s18 =	sadd.s32 $0x40, s18;
	v0 =	vadd.f32 v1, v0  }
0x98: {  	v1 =	vld [tilespmem:s19+$0x0]  }
0x99: {  	s18 =	simm.s32 $0x0;
	s19 =	rddreg [dreg:$0xe]  }
0x9a: {  	[tilespmem:s18], [sflag:$0x1] =	stream.linear.gather [hbm4b:s19+s18], $0x8000, $0x38;
	[tilespmem:$0x10080] =	vst v63  }
0x9b: {  	_ =	swait.ge [sflag:s15], $0x8000  }
0x9c: {  	[sflag:s15] =	ssyncset.done $0x0  }
0x9d: {  	s19 =	simm.s32 $0x0;
	[sflag:s15] =	ssyncadd.s32 $0xFFFF8000  }
0x9e: {  	s18 =	simm.s32 $0x40;
	v0 =	vadd.f32 v1, v0;
	v1 =	vld [tilespmem:s19+$0x8000]  }
.LBB2_24:
0x9f: {  	p0 =	sne.s32 s18, $0x1FFC0  }
.Ltmp11:
0xa0: {  	_ = 	snop;
	(pc) =	sbr.rel @p0 .LBB2_24-.Ltmp11, $3  }
0xa1: {  	_ =	sdelay $0x1  }
0xa2: {  	s19 =	sshra.s32 s18, $0x2;
	s18 =	sadd.s32 $0x40, s18;
	v0 =	vadd.f32 v1, v0  }
0xa3: {  	v1 =	vld [tilespmem:s19+$0x8000]  }
0xa4: {  	s18 =	simm.s32 $0x0;
	s19 =	rddreg [dreg:$0xf]  }
0xa5: {  	[tilespmem:s13], [sflag:$0x2] =	stream.linear.gather [hbm4b:s19+s18], $0x8000, $0x38;
	[tilespmem:$0x10080] =	vst v63  }
0xa6: {  	_ =	swait.ge [sflag:s14], $0x8000  }
0xa7: {  	[sflag:s14] =	ssyncset.done $0x0  }
0xa8: {  	s19 =	simm.s32 $0x0;
	[sflag:s14] =	ssyncadd.s32 $0xFFFF8000  }
0xa9: {  	s18 =	simm.s32 $0x40;
	v0 =	vadd.f32 v1, v0;
	v1 =	vld [tilespmem:s19+$0x0]  }
.LBB2_26:
0xaa: {  	p0 =	sne.s32 s18, $0x1FFC0  }
.Ltmp12:
0xab: {  	_ = 	snop;
	(pc) =	sbr.rel @p0 .LBB2_26-.Ltmp12, $3  }
0xac: {  	_ =	sdelay $0x1  }
0xad: {  	s19 =	sshra.s32 s18, $0x2;
	s18 =	sadd.s32 $0x40, s18;
	v0 =	vadd.f32 v1, v0  }
0xae: {  	v1 =	vld [tilespmem:s19+$0x0]  }
0xaf: {  	s18 =	simm.s32 $0x0;
	s19 =	rddreg [dreg:$0x10]  }
0xb0: {  	[tilespmem:s18], [sflag:$0x1] =	stream.linear.gather [hbm4b:s19+s18], $0x8000, $0x38;
	[tilespmem:$0x10080] =	vst v63  }
0xb1: {  	_ =	swait.ge [sflag:s15], $0x8000  }
0xb2: {  	[sflag:s15] =	ssyncset.done $0x0  }
0xb3: {  	s19 =	simm.s32 $0x0;
	[sflag:s15] =	ssyncadd.s32 $0xFFFF8000  }
0xb4: {  	s18 =	simm.s32 $0x40;
	v0 =	vadd.f32 v1, v0;
	v1 =	vld [tilespmem:s19+$0x8000]  }
.LBB2_28:
0xb5: {  	p0 =	sne.s32 s18, $0x1FFC0  }
.Ltmp13:
0xb6: {  	_ = 	snop;
	(pc) =	sbr.rel @p0 .LBB2_28-.Ltmp13, $3  }
0xb7: {  	_ =	sdelay $0x1  }
0xb8: {  	s19 =	sshra.s32 s18, $0x2;
	s18 =	sadd.s32 $0x40, s18;
	v0 =	vadd.f32 v1, v0  }
0xb9: {  	v1 =	vld [tilespmem:s19+$0x8000]  }
0xba: {  	s18 =	simm.s32 $0x0;
	s19 =	rddreg [dreg:$0x11]  }
0xbb: {  	[tilespmem:s13], [sflag:$0x2] =	stream.linear.gather [hbm4b:s19+s18], $0x8000, $0x38;
	[tilespmem:$0x10080] =	vst v63  }
0xbc: {  	_ =	swait.ge [sflag:s14], $0x8000  }
0xbd: {  	[sflag:s14] =	ssyncset.done $0x0  }
0xbe: {  	s19 =	simm.s32 $0x0;
	[sflag:s14] =	ssyncadd.s32 $0xFFFF8000  }
0xbf: {  	s18 =	simm.s32 $0x40;
	v0 =	vadd.f32 v1, v0;
	v1 =	vld [tilespmem:s19+$0x0]  }
.LBB2_30:
0xc0: {  	p0 =	sne.s32 s18, $0x1FFC0  }
.Ltmp14:
0xc1: {  	_ = 	snop;
	(pc) =	sbr.rel @p0 .LBB2_30-.Ltmp14, $3  }
0xc2: {  	_ =	sdelay $0x1  }
0xc3: {  	s19 =	sshra.s32 s18, $0x2;
	s18 =	sadd.s32 $0x40, s18;
	v0 =	vadd.f32 v1, v0  }
0xc4: {  	v1 =	vld [tilespmem:s19+$0x0]  }
0xc5: {  	s18 =	simm.s32 $0x0;
	s19 =	rddreg [dreg:$0x12]  }
0xc6: {  	[tilespmem:s18], [sflag:$0x1] =	stream.linear.gather [hbm4b:s19+s18], $0x8000, $0x38;
	[tilespmem:$0x10080] =	vst v63  }
0xc7: {  	_ =	swait.ge [sflag:s15], $0x8000  }
0xc8: {  	[sflag:s15] =	ssyncset.done $0x0  }
0xc9: {  	s19 =	simm.s32 $0x0;
	[sflag:s15] =	ssyncadd.s32 $0xFFFF8000  }
0xca: {  	s18 =	simm.s32 $0x40;
	v0 =	vadd.f32 v1, v0;
	v1 =	vld [tilespmem:s19+$0x8000]  }
.LBB2_32:
0xcb: {  	p0 =	sne.s32 s18, $0x1FFC0  }
.Ltmp15:
0xcc: {  	_ = 	snop;
	(pc) =	sbr.rel @p0 .LBB2_32-.Ltmp15, $3  }
0xcd: {  	_ =	sdelay $0x1  }
0xce: {  	s19 =	sshra.s32 s18, $0x2;
	s18 =	sadd.s32 $0x40, s18;
	v0 =	vadd.f32 v1, v0  }
0xcf: {  	v1 =	vld [tilespmem:s19+$0x8000]  }
0xd0: {  	s18 =	simm.s32 $0x0  }
0xd1: {  	[tilespmem:s13], [sflag:$0x2] =	stream.linear.gather [hbm4b:s20+s18], $0x8000, $0x38;
	[tilespmem:$0x10080] =	vst v63  }
0xd2: {  	_ =	swait.ge [sflag:s14], $0x8000  }
0xd3: {  	[sflag:s14] =	ssyncset.done $0x0  }
0xd4: {  	s19 =	simm.s32 $0x0;
	[sflag:s14] =	ssyncadd.s32 $0xFFFF8000  }
0xd5: {  	s18 =	simm.s32 $0x40;
	v0 =	vadd.f32 v1, v0;
	v1 =	vld [tilespmem:s19+$0x0]  }
.LBB2_34:
0xd6: {  	p0 =	sne.s32 s18, $0x1FFC0  }
.Ltmp16:
0xd7: {  	_ = 	snop;
	(pc) =	sbr.rel @p0 .LBB2_34-.Ltmp16, $3  }
0xd8: {  	_ =	sdelay $0x1  }
0xd9: {  	s19 =	sshra.s32 s18, $0x2;
	s18 =	sadd.s32 $0x40, s18;
	v0 =	vadd.f32 v1, v0  }
0xda: {  	v1 =	vld [tilespmem:s19+$0x0]  }
0xdb: {  	s18 =	simm.s32 $0x0  }
0xdc: {  	[tilespmem:s18], [sflag:$0x1] =	stream.linear.gather [hbm4b:s21+s18], $0x8000, $0x38;
	[tilespmem:$0x10080] =	vst v63  }
0xdd: {  	_ =	swait.ge [sflag:s15], $0x8000  }
0xde: {  	[sflag:s15] =	ssyncset.done $0x0  }
0xdf: {  	s19 =	simm.s32 $0x0;
	[sflag:s15] =	ssyncadd.s32 $0xFFFF8000  }
0xe0: {  	s18 =	simm.s32 $0x40;
	v0 =	vadd.f32 v1, v0;
	v1 =	vld [tilespmem:s19+$0x8000]  }
.LBB2_36:
0xe1: {  	p0 =	sne.s32 s18, $0x1FFC0  }
.Ltmp17:
0xe2: {  	_ = 	snop;
	(pc) =	sbr.rel @p0 .LBB2_36-.Ltmp17, $3  }
0xe3: {  	_ =	sdelay $0x1  }
0xe4: {  	s19 =	sshra.s32 s18, $0x2;
	s18 =	sadd.s32 $0x40, s18;
	v0 =	vadd.f32 v1, v0  }
0xe5: {  	v1 =	vld [tilespmem:s19+$0x8000]  }
0xe6: {  	s18 =	simm.s32 $0x0  }
0xe7: {  	[tilespmem:s13], [sflag:$0x2] =	stream.linear.gather [hbm4b:s22+s18], $0x8000, $0x38;
	[tilespmem:$0x10080] =	vst v63  }
0xe8: {  	_ =	swait.ge [sflag:s14], $0x8000  }
0xe9: {  	[sflag:s14] =	ssyncset.done $0x0  }
0xea: {  	s19 =	simm.s32 $0x0;
	[sflag:s14] =	ssyncadd.s32 $0xFFFF8000  }
0xeb: {  	s18 =	simm.s32 $0x40;
	v0 =	vadd.f32 v1, v0;
	v1 =	vld [tilespmem:s19+$0x0]  }
.LBB2_38:
0xec: {  	p0 =	sne.s32 s18, $0x1FFC0  }
.Ltmp18:
0xed: {  	_ = 	snop;
	(pc) =	sbr.rel @p0 .LBB2_38-.Ltmp18, $3  }
0xee: {  	_ =	sdelay $0x1  }
0xef: {  	s19 =	sshra.s32 s18, $0x2;
	s18 =	sadd.s32 $0x40, s18;
	v0 =	vadd.f32 v1, v0  }
0xf0: {  	v1 =	vld [tilespmem:s19+$0x0]  }
0xf1: {  	s18 =	simm.s32 $0x0  }
0xf2: {  	[tilespmem:s18], [sflag:$0x1] =	stream.linear.gather [hbm4b:s23+s18], $0x8000, $0x38;
	[tilespmem:$0x10080] =	vst v63  }
0xf3: {  	_ =	swait.ge [sflag:s15], $0x8000  }
0xf4: {  	[sflag:s15] =	ssyncset.done $0x0  }
0xf5: {  	s19 =	simm.s32 $0x0;
	[sflag:s15] =	ssyncadd.s32 $0xFFFF8000  }
0xf6: {  	s18 =	simm.s32 $0x40;
	v0 =	vadd.f32 v1, v0;
	v1 =	vld [tilespmem:s19+$0x8000]  }
.LBB2_40:
0xf7: {  	p0 =	sne.s32 s18, $0x1FFC0  }
.Ltmp19:
0xf8: {  	_ = 	snop;
	(pc) =	sbr.rel @p0 .LBB2_40-.Ltmp19, $3  }
0xf9: {  	_ =	sdelay $0x1  }
0xfa: {  	s19 =	sshra.s32 s18, $0x2;
	s18 =	sadd.s32 $0x40, s18;
	v0 =	vadd.f32 v1, v0  }
0xfb: {  	v1 =	vld [tilespmem:s19+$0x8000]  }
0xfc: {  	s18 =	simm.s32 $0x0  }
0xfd: {  	[tilespmem:s13], [sflag:$0x2] =	stream.linear.gather [hbm4b:s24+s18], $0x8000, $0x38;
	[tilespmem:$0x10080] =	vst v63  }
0xfe: {  	_ =	swait.ge [sflag:s14], $0x8000  }
0xff: {  	[sflag:s14] =	ssyncset.done $0x0  }
0x100: {  	s19 =	simm.s32 $0x0;
	[sflag:s14] =	ssyncadd.s32 $0xFFFF8000  }
0x101: {  	s18 =	simm.s32 $0x40;
	v0 =	vadd.f32 v1, v0;
	v1 =	vld [tilespmem:s19+$0x0]  }
.LBB2_42:
0x102: {  	p0 =	sne.s32 s18, $0x1FFC0  }
.Ltmp20:
0x103: {  	_ = 	snop;
	(pc) =	sbr.rel @p0 .LBB2_42-.Ltmp20, $3  }
0x104: {  	_ =	sdelay $0x1  }
0x105: {  	s19 =	sshra.s32 s18, $0x2;
	s18 =	sadd.s32 $0x40, s18;
	v0 =	vadd.f32 v1, v0  }
0x106: {  	v1 =	vld [tilespmem:s19+$0x0]  }
0x107: {  	s18 =	simm.s32 $0x0  }
0x108: {  	[tilespmem:s18], [sflag:$0x1] =	stream.linear.gather [hbm4b:s25+s18], $0x8000, $0x38;
	[tilespmem:$0x10080] =	vst v63  }
0x109: {  	_ =	swait.ge [sflag:s15], $0x8000  }
0x10a: {  	[sflag:s15] =	ssyncset.done $0x0  }
0x10b: {  	s19 =	simm.s32 $0x0;
	[sflag:s15] =	ssyncadd.s32 $0xFFFF8000  }
0x10c: {  	s18 =	simm.s32 $0x40;
	v0 =	vadd.f32 v1, v0;
	v1 =	vld [tilespmem:s19+$0x8000]  }
.LBB2_44:
0x10d: {  	p0 =	sne.s32 s18, $0x1FFC0  }
.Ltmp21:
0x10e: {  	_ = 	snop;
	(pc) =	sbr.rel @p0 .LBB2_44-.Ltmp21, $3  }
0x10f: {  	_ =	sdelay $0x1  }
0x110: {  	s19 =	sshra.s32 s18, $0x2;
	s18 =	sadd.s32 $0x40, s18;
	v0 =	vadd.f32 v1, v0  }
0x111: {  	v1 =	vld [tilespmem:s19+$0x8000]  }
0x112: {  	s18 =	simm.s32 $0x0  }
0x113: {  	[tilespmem:s13], [sflag:$0x2] =	stream.linear.gather [hbm4b:s26+s18], $0x8000, $0x38;
	[tilespmem:$0x10080] =	vst v63  }
0x114: {  	_ =	swait.ge [sflag:s14], $0x8000  }
0x115: {  	[sflag:s14] =	ssyncset.done $0x0  }
0x116: {  	s19 =	simm.s32 $0x0;
	[sflag:s14] =	ssyncadd.s32 $0xFFFF8000  }
0x117: {  	s18 =	simm.s32 $0x40;
	v0 =	vadd.f32 v1, v0;
	v1 =	vld [tilespmem:s19+$0x0]  }
.LBB2_46:
0x118: {  	p0 =	sne.s32 s18, $0x1FFC0  }
.Ltmp22:
0x119: {  	_ = 	snop;
	(pc) =	sbr.rel @p0 .LBB2_46-.Ltmp22, $3  }
0x11a: {  	_ =	sdelay $0x1  }
0x11b: {  	s19 =	sshra.s32 s18, $0x2;
	s18 =	sadd.s32 $0x40, s18;
	v0 =	vadd.f32 v1, v0  }
0x11c: {  	v1 =	vld [tilespmem:s19+$0x0]  }
0x11d: {  	s18 =	simm.s32 $0x0  }
0x11e: {  	[tilespmem:s18], [sflag:$0x1] =	stream.linear.gather [hbm4b:s28+s18], $0x8000, $0x38;
	[tilespmem:$0x10080] =	vst v63  }
0x11f: {  	_ =	swait.ge [sflag:s15], $0x8000  }
0x120: {  	[sflag:s15] =	ssyncset.done $0x0  }
0x121: {  	s19 =	simm.s32 $0x0;
	[sflag:s15] =	ssyncadd.s32 $0xFFFF8000  }
0x122: {  	s18 =	simm.s32 $0x40;
	v0 =	vadd.f32 v1, v0;
	v1 =	vld [tilespmem:s19+$0x8000]  }
.LBB2_48:
0x123: {  	p0 =	sne.s32 s18, $0x1FFC0  }
.Ltmp23:
0x124: {  	_ = 	snop;
	(pc) =	sbr.rel @p0 .LBB2_48-.Ltmp23, $3  }
0x125: {  	_ =	sdelay $0x1  }
0x126: {  	s19 =	sshra.s32 s18, $0x2;
	s18 =	sadd.s32 $0x40, s18;
	v0 =	vadd.f32 v1, v0  }
0x127: {  	v1 =	vld [tilespmem:s19+$0x8000]  }
0x128: {  	s18 =	simm.s32 $0x0  }
0x129: {  	[tilespmem:s13], [sflag:$0x2] =	stream.linear.gather [hbm4b:s29+s18], $0x8000, $0x38;
	[tilespmem:$0x10080] =	vst v63  }
0x12a: {  	_ =	swait.ge [sflag:s14], $0x8000  }
0x12b: {  	[sflag:s14] =	ssyncset.done $0x0  }
0x12c: {  	s19 =	simm.s32 $0x0;
	[sflag:s14] =	ssyncadd.s32 $0xFFFF8000  }
0x12d: {  	s18 =	simm.s32 $0x40;
	v0 =	vadd.f32 v1, v0;
	v1 =	vld [tilespmem:s19+$0x0]  }
.LBB2_50:
0x12e: {  	p0 =	sne.s32 s18, $0x1FFC0  }
.Ltmp24:
0x12f: {  	_ = 	snop;
	(pc) =	sbr.rel @p0 .LBB2_50-.Ltmp24, $3  }
0x130: {  	_ =	sdelay $0x1  }
0x131: {  	s19 =	sshra.s32 s18, $0x2;
	s18 =	sadd.s32 $0x40, s18;
	v0 =	vadd.f32 v1, v0  }
0x132: {  	v1 =	vld [tilespmem:s19+$0x0]  }
0x133: {  	s18 =	simm.s32 $0x0  }
0x134: {  	[tilespmem:s18], [sflag:$0x1] =	stream.linear.gather [hbm4b:s30+s18], $0x8000, $0x38;
	[tilespmem:$0x10080] =	vst v63  }
0x135: {  	_ =	swait.ge [sflag:s15], $0x8000  }
0x136: {  	[sflag:s15] =	ssyncset.done $0x0  }
0x137: {  	s19 =	simm.s32 $0x0;
	[sflag:s15] =	ssyncadd.s32 $0xFFFF8000  }
0x138: {  	s18 =	simm.s32 $0x40;
	v0 =	vadd.f32 v1, v0;
	v1 =	vld [tilespmem:s19+$0x8000]  }
.LBB2_52:
0x139: {  	p0 =	sne.s32 s18, $0x1FFC0  }
.Ltmp25:
0x13a: {  	_ = 	snop;
	(pc) =	sbr.rel @p0 .LBB2_52-.Ltmp25, $3  }
0x13b: {  	_ =	sdelay $0x1  }
0x13c: {  	s19 =	sshra.s32 s18, $0x2;
	s18 =	sadd.s32 $0x40, s18;
	v0 =	vadd.f32 v1, v0  }
0x13d: {  	v1 =	vld [tilespmem:s19+$0x8000]  }
0x13e: {  	s18 =	simm.s32 $0x0  }
0x13f: {  	[tilespmem:s13], [sflag:$0x2] =	stream.linear.gather [hbm4b:s31+s18], $0x8000, $0x38;
	[tilespmem:$0x10080] =	vst v63  }
0x140: {  	_ =	swait.ge [sflag:s14], $0x8000  }
0x141: {  	[sflag:s14] =	ssyncset.done $0x0  }
0x142: {  	s19 =	simm.s32 $0x0;
	[sflag:s14] =	ssyncadd.s32 $0xFFFF8000  }
0x143: {  	s18 =	simm.s32 $0x40;
	v0 =	vadd.f32 v1, v0;
	v1 =	vld [tilespmem:s19+$0x0]  }
.LBB2_54:
0x144: {  	p0 =	sne.s32 s18, $0x1FFC0  }
.Ltmp26:
0x145: {  	_ = 	snop;
	(pc) =	sbr.rel @p0 .LBB2_54-.Ltmp26, $3  }
0x146: {  	_ =	sdelay $0x1  }
0x147: {  	s19 =	sshra.s32 s18, $0x2;
	s18 =	sadd.s32 $0x40, s18;
	v0 =	vadd.f32 v1, v0  }
0x148: {  	v1 =	vld [tilespmem:s19+$0x0]  }
0x149: {  	s18 =	simm.s32 $0x0  }
0x14a: {  	[tilespmem:s18], [sflag:$0x1] =	stream.linear.gather [hbm4b:s1+s18], $0x8000, $0x38;
	[tilespmem:$0x10080] =	vst v63  }
0x14b: {  	_ =	swait.ge [sflag:s15], $0x8000  }
0x14c: {  	[sflag:s15] =	ssyncset.done $0x0  }
0x14d: {  	s19 =	simm.s32 $0x0;
	[sflag:s15] =	ssyncadd.s32 $0xFFFF8000  }
0x14e: {  	s18 =	simm.s32 $0x40;
	v0 =	vadd.f32 v1, v0;
	v1 =	vld [tilespmem:s19+$0x8000]  }
.LBB2_56:
0x14f: {  	p0 =	sne.s32 s18, $0x1FFC0  }
.Ltmp27:
0x150: {  	_ = 	snop;
	(pc) =	sbr.rel @p0 .LBB2_56-.Ltmp27, $3  }
0x151: {  	_ =	sdelay $0x1  }
0x152: {  	s19 =	sshra.s32 s18, $0x2;
	s18 =	sadd.s32 $0x40, s18;
	v0 =	vadd.f32 v1, v0  }
0x153: {  	v1 =	vld [tilespmem:s19+$0x8000]  }
0x154: {  	s18 =	simm.s32 $0x0  }
0x155: {  	[tilespmem:s13], [sflag:$0x2] =	stream.linear.gather [hbm4b:s0+s18], $0x8000, $0x38;
	[tilespmem:$0x10080] =	vst v63  }
0x156: {  	_ =	swait.ge [sflag:s14], $0x8000  }
0x157: {  	[sflag:s14] =	ssyncset.done $0x0  }
0x158: {  	s19 =	simm.s32 $0x0;
	[sflag:s14] =	ssyncadd.s32 $0xFFFF8000  }
0x159: {  	s18 =	simm.s32 $0x40;
	v0 =	vadd.f32 v1, v0;
	v1 =	vld [tilespmem:s19+$0x0]  }
.LBB2_58:
0x15a: {  	p0 =	sne.s32 s18, $0x1FFC0  }
.Ltmp28:
0x15b: {  	_ = 	snop;
	(pc) =	sbr.rel @p0 .LBB2_58-.Ltmp28, $3  }
0x15c: {  	_ =	sdelay $0x1  }
0x15d: {  	s19 =	sshra.s32 s18, $0x2;
	s18 =	sadd.s32 $0x40, s18;
	v0 =	vadd.f32 v1, v0  }
0x15e: {  	v1 =	vld [tilespmem:s19+$0x0]  }
0x15f: {  	s18 =	simm.s32 $0x0  }
0x160: {  	[tilespmem:s18], [sflag:$0x1] =	stream.linear.gather [hbm4b:s3+s18], $0x8000, $0x38;
	[tilespmem:$0x10080] =	vst v63  }
0x161: {  	_ =	swait.ge [sflag:s15], $0x8000  }
0x162: {  	[sflag:s15] =	ssyncset.done $0x0  }
0x163: {  	s19 =	simm.s32 $0x0;
	[sflag:s15] =	ssyncadd.s32 $0xFFFF8000  }
0x164: {  	s18 =	simm.s32 $0x40;
	v0 =	vadd.f32 v1, v0;
	v1 =	vld [tilespmem:s19+$0x8000]  }
.LBB2_60:
0x165: {  	p0 =	sne.s32 s18, $0x1FFC0  }
.Ltmp29:
0x166: {  	_ = 	snop;
	(pc) =	sbr.rel @p0 .LBB2_60-.Ltmp29, $3  }
0x167: {  	_ =	sdelay $0x1  }
0x168: {  	s19 =	sshra.s32 s18, $0x2;
	s18 =	sadd.s32 $0x40, s18;
	v0 =	vadd.f32 v1, v0  }
0x169: {  	v1 =	vld [tilespmem:s19+$0x8000]  }
0x16a: {  	s18 =	simm.s32 $0x0  }
0x16b: {  	[tilespmem:s13], [sflag:$0x2] =	stream.linear.gather [hbm4b:s4+s18], $0x8000, $0x38;
	[tilespmem:$0x10080] =	vst v63  }
0x16c: {  	_ =	swait.ge [sflag:s14], $0x8000  }
0x16d: {  	[sflag:s14] =	ssyncset.done $0x0  }
0x16e: {  	s19 =	simm.s32 $0x0;
	[sflag:s14] =	ssyncadd.s32 $0xFFFF8000  }
0x16f: {  	s18 =	simm.s32 $0x40;
	v0 =	vadd.f32 v1, v0;
	v1 =	vld [tilespmem:s19+$0x0]  }
.LBB2_62:
0x170: {  	p0 =	sne.s32 s18, $0x1FFC0  }
.Ltmp30:
0x171: {  	_ = 	snop;
	(pc) =	sbr.rel @p0 .LBB2_62-.Ltmp30, $3  }
0x172: {  	_ =	sdelay $0x1  }
0x173: {  	s19 =	sshra.s32 s18, $0x2;
	s18 =	sadd.s32 $0x40, s18;
	v0 =	vadd.f32 v1, v0  }
0x174: {  	v1 =	vld [tilespmem:s19+$0x0]  }
0x175: {  	s18 =	simm.s32 $0x0  }
0x176: {  	[tilespmem:s18], [sflag:$0x1] =	stream.linear.gather [hbm4b:s5+s18], $0x8000, $0x38;
	[tilespmem:$0x10080] =	vst v63  }
0x177: {  	_ =	swait.ge [sflag:s15], $0x8000  }
0x178: {  	[sflag:s15] =	ssyncset.done $0x0  }
0x179: {  	s19 =	simm.s32 $0x0;
	[sflag:s15] =	ssyncadd.s32 $0xFFFF8000  }
0x17a: {  	s18 =	simm.s32 $0x40;
	v0 =	vadd.f32 v1, v0;
	v1 =	vld [tilespmem:s19+$0x8000]  }
.LBB2_64:
0x17b: {  	p0 =	sne.s32 s18, $0x1FFC0  }
.Ltmp31:
0x17c: {  	_ = 	snop;
	(pc) =	sbr.rel @p0 .LBB2_64-.Ltmp31, $3  }
0x17d: {  	_ =	sdelay $0x1  }
0x17e: {  	s19 =	sshra.s32 s18, $0x2;
	s18 =	sadd.s32 $0x40, s18;
	v0 =	vadd.f32 v1, v0  }
0x17f: {  	v1 =	vld [tilespmem:s19+$0x8000]  }
0x180: {  	s18 =	simm.s32 $0x0  }
0x181: {  	[tilespmem:s13], [sflag:$0x2] =	stream.linear.gather [hbm4b:s6+s18], $0x8000, $0x38;
	[tilespmem:$0x10080] =	vst v63  }
0x182: {  	_ =	swait.ge [sflag:s14], $0x8000  }
0x183: {  	[sflag:s14] =	ssyncset.done $0x0  }
0x184: {  	s19 =	simm.s32 $0x0;
	[sflag:s14] =	ssyncadd.s32 $0xFFFF8000  }
0x185: {  	s18 =	simm.s32 $0x40;
	v0 =	vadd.f32 v1, v0;
	v1 =	vld [tilespmem:s19+$0x0]  }
.LBB2_66:
0x186: {  	p0 =	sne.s32 s18, $0x1FFC0  }
.Ltmp32:
0x187: {  	_ = 	snop;
	(pc) =	sbr.rel @p0 .LBB2_66-.Ltmp32, $3  }
0x188: {  	_ =	sdelay $0x1  }
0x189: {  	s19 =	sshra.s32 s18, $0x2;
	s18 =	sadd.s32 $0x40, s18;
	v0 =	vadd.f32 v1, v0  }
0x18a: {  	v1 =	vld [tilespmem:s19+$0x0]  }
0x18b: {  	s18 =	simm.s32 $0x0  }
0x18c: {  	[tilespmem:s18], [sflag:$0x1] =	stream.linear.gather [hbm4b:s7+s18], $0x8000, $0x38;
	[tilespmem:$0x10080] =	vst v63  }
0x18d: {  	_ =	swait.ge [sflag:s15], $0x8000  }
0x18e: {  	[sflag:s15] =	ssyncset.done $0x0  }
0x18f: {  	s19 =	simm.s32 $0x0;
	[sflag:s15] =	ssyncadd.s32 $0xFFFF8000  }
0x190: {  	s18 =	simm.s32 $0x40;
	v0 =	vadd.f32 v1, v0;
	v1 =	vld [tilespmem:s19+$0x8000]  }
.LBB2_68:
0x191: {  	p0 =	sne.s32 s18, $0x1FFC0  }
.Ltmp33:
0x192: {  	_ = 	snop;
	(pc) =	sbr.rel @p0 .LBB2_68-.Ltmp33, $3  }
0x193: {  	_ =	sdelay $0x1  }
0x194: {  	s19 =	sshra.s32 s18, $0x2;
	s18 =	sadd.s32 $0x40, s18;
	v0 =	vadd.f32 v1, v0  }
0x195: {  	v1 =	vld [tilespmem:s19+$0x8000]  }
0x196: {  	s18 =	simm.s32 $0x0  }
0x197: {  	[tilespmem:s13], [sflag:$0x2] =	stream.linear.gather [hbm4b:s8+s18], $0x8000, $0x38;
	[tilespmem:$0x10080] =	vst v63  }
0x198: {  	_ =	swait.ge [sflag:s14], $0x8000  }
0x199: {  	[sflag:s14] =	ssyncset.done $0x0  }
0x19a: {  	s19 =	simm.s32 $0x0;
	[sflag:s14] =	ssyncadd.s32 $0xFFFF8000  }
0x19b: {  	s18 =	simm.s32 $0x40;
	v0 =	vadd.f32 v1, v0;
	v1 =	vld [tilespmem:s19+$0x0]  }
.LBB2_70:
0x19c: {  	p0 =	sne.s32 s18, $0x1FFC0  }
.Ltmp34:
0x19d: {  	_ = 	snop;
	(pc) =	sbr.rel @p0 .LBB2_70-.Ltmp34, $3  }
0x19e: {  	_ =	sdelay $0x1  }
0x19f: {  	s19 =	sshra.s32 s18, $0x2;
	s18 =	sadd.s32 $0x40, s18;
	v0 =	vadd.f32 v1, v0  }
0x1a0: {  	v1 =	vld [tilespmem:s19+$0x0]  }
0x1a1: {  	s18 =	simm.s32 $0x0  }
0x1a2: {  	[tilespmem:s18], [sflag:$0x1] =	stream.linear.gather [hbm4b:s9+s18], $0x8000, $0x38;
	[tilespmem:$0x10080] =	vst v63  }
0x1a3: {  	_ =	swait.ge [sflag:s15], $0x8000  }
0x1a4: {  	[sflag:s15] =	ssyncset.done $0x0  }
0x1a5: {  	s19 =	simm.s32 $0x0;
	[sflag:s15] =	ssyncadd.s32 $0xFFFF8000  }
0x1a6: {  	s18 =	simm.s32 $0x40;
	v0 =	vadd.f32 v1, v0;
	v1 =	vld [tilespmem:s19+$0x8000]  }
.LBB2_72:
0x1a7: {  	p0 =	sne.s32 s18, $0x1FFC0  }
.Ltmp35:
0x1a8: {  	_ = 	snop;
	(pc) =	sbr.rel @p0 .LBB2_72-.Ltmp35, $3  }
0x1a9: {  	_ =	sdelay $0x1  }
0x1aa: {  	s19 =	sshra.s32 s18, $0x2;
	s18 =	sadd.s32 $0x40, s18;
	v0 =	vadd.f32 v1, v0  }
0x1ab: {  	v1 =	vld [tilespmem:s19+$0x8000]  }
0x1ac: {  	s18 =	simm.s32 $0x0  }
0x1ad: {  	[tilespmem:s13], [sflag:$0x2] =	stream.linear.gather [hbm4b:s10+s18], $0x8000, $0x38;
	[tilespmem:$0x10080] =	vst v63  }
0x1ae: {  	_ =	swait.ge [sflag:s14], $0x8000  }
0x1af: {  	[sflag:s14] =	ssyncset.done $0x0  }
0x1b0: {  	s19 =	simm.s32 $0x0;
	[sflag:s14] =	ssyncadd.s32 $0xFFFF8000  }
0x1b1: {  	s18 =	simm.s32 $0x40;
	v0 =	vadd.f32 v1, v0;
	v1 =	vld [tilespmem:s19+$0x0]  }
.LBB2_74:
0x1b2: {  	p0 =	sne.s32 s18, $0x1FFC0  }
.Ltmp36:
0x1b3: {  	_ = 	snop;
	(pc) =	sbr.rel @p0 .LBB2_74-.Ltmp36, $3  }
0x1b4: {  	_ =	sdelay $0x1  }
0x1b5: {  	s19 =	sshra.s32 s18, $0x2;
	s18 =	sadd.s32 $0x40, s18;
	v0 =	vadd.f32 v1, v0  }
0x1b6: {  	v1 =	vld [tilespmem:s19+$0x0]  }
0x1b7: {  	_ = 	snop  }
0x1b8: {  	_ =	swait.ge [sflag:s15], $0x8000  }
0x1b9: {  	[sflag:s15] =	ssyncset.done $0x0  }
0x1ba: {  	s19 =	simm.s32 $0x0;
	[sflag:s15] =	ssyncadd.s32 $0xFFFF8000  }
0x1bb: {  	s18 =	simm.s32 $0x40;
	v0 =	vadd.f32 v1, v0;
	v1 =	vld [tilespmem:s19+$0x8000]  }
.LBB2_76:
0x1bc: {  	p0 =	sne.s32 s18, $0x1FFC0  }
.Ltmp37:
0x1bd: {  	_ = 	snop;
	(pc) =	sbr.rel @p0 .LBB2_76-.Ltmp37, $3  }
0x1be: {  	_ =	sdelay $0x1  }
0x1bf: {  	s19 =	sshra.s32 s18, $0x2;
	s18 =	sadd.s32 $0x40, s18;
	v0 =	vadd.f32 v1, v0  }
0x1c0: {  	v1 =	vld [tilespmem:s19+$0x8000]  }
0x1c1: {  	_ =	sdelay $0x3  }
0x1c2: {  	s17 =	sadd.s32 $0x1, s17;
	v0 =	vadd.f32 v1, v0  }
0x1c3: {  	p0 =	sne.s32 s17, s12  }
.Ltmp38:
0x1c4: {  	s18 =	simm.s32 $0x10000;
	[tilespmem:$0x10000] =	vst v0;
	(pc) =	sbr.rel @p0 .LBB2_1-.Ltmp38, $4  }
0x1c5: {  	[hbm4b:s11+s2] =	stream.linear.scatter [tilespmem:s18], [sflag:$0x3], $0x80, $0x38;
	[tilespmem:$0x10080] =	vst v63  }
0x1c6: {  	_ =	swait.ge [sflag:s16], $0x80  }
0x1c7: {  	[sflag:s16] =	ssyncset.done $0x0  }
0x1c8: {  	[sflag:s16] =	ssyncadd.s32 $0xFFFFFF80  }
0x1c9: {  	_ =	sfence.sel $0x180000  }
0x1ca: {  	[bflag:$0x0] =	sbarrier.arrive $0xFFFF  }
0x1cb: {  	_ =	strace $0x9000004A  }
0x1cc: {  	s0 =	stileid.u32;
	[bflag:$0x2] =	sbarrier.arrive $0xFFFF  }
0x1cd: {  	p0 =	sne.s32 s0, $0x0;
	s0 =	rddreg [dreg:$0x1]  }
0x1ce: {  	s0 =	sadd.s32 @!p0 $0x100000, s0  }
0x1cf: {  	[sflag:s0] =	ssyncadd.tile.s32 @!p0 $0x1;
	_ =	shalt  }
.Lfunc_end2:
_tile_overlayer_lowered:
.L_overlay_start_2:
0x1d0: {  	(tag) =	ssettag $0x2  }
0x1d1: {  	s0 =	rddreg [dreg:$0x0];
	s2 =	stileid.u32  }
0x1d2: {  	s1 =	rddreg [dreg:$0x1];
	p0 =	sne.s32 s2, $0x0  }
0x1d3: {  	s3 =	rddreg [dreg:$0x2];
	[bflag:$0x3] =	sbarrier.arrive $0xFFFF;
	s2 =	simm.s32 @!p0 $0x1C03  }
0x1d4: {  	[timem:s3], [sflag:s2] =	dma.local @!p0 [hbm:s0], s1  }
0x1d5: {  	s0 =	simm.s32 @!p0 $0x3  }
0x1d6: {  	_ =	swait.ge @!p0 [sflag:s0], s1  }
0x1d7: {  	s1 =	ssub.s32 @!p0 $0x0, s1;
	[sflag:s0] =	ssyncset.done @!p0 $0x0  }
0x1d8: {  	[sflag:s0] =	ssyncadd.s32 @!p0 s1  }
0x1d9: {  	[bflag:$0x3] =	sbarrier.arrive $0xFFFF  }
0x1da: {  	_ =	shalt  }

// kernel: sparse-core-data-format-call.cloned.1.call-start
scs
called_computation_lowered:
.L_overlay_start_0:
0x0: {  	s2 =	sld [smem:$0x3FD9]  }
0x1: {  	s3 =	sld [smem:$0x3FFE];
	_ =	sdelay $0x1  }
0x2: {  	s1 =	srdreg.scid  }
0x3: {  	s0 =	sand.u32 $0x1, s1  }
0x4: {  	s18 =	sshll.u32 s0, $0xA;
	s2 =	sadd.s32 s3, s2  }
0x5: {  	s2 =	sadd.s32 s2, s18  }
0x6: {  	[smem:$0x3FC7] =	sst s2  }
0x7: {  	_ = 	snop  }
0x8: {  	s2 =	sld [smem:$0x3FC9];
	(tm) =	ssettm $0x1  }
0x9: {  	s19 =	sld [smem:$0x3FFB];
	_ =	sdelay $0x3  }
0xa: {  	_ =	strace s19  }
0xb: {  	s3 =	sld [smem:$0x3FFC];
	_ =	sdelay $0x3  }
0xc: {  	_ =	strace s3  }
0xd: {  	s3 =	sld [smem:$0x3FFD];
	_ =	sdelay $0x3  }
0xe: {  	_ =	strace s3  }
0xf: {  	_ =	strace $0x8FFFFFFF  }
0x10: {  	s20 =	sld [smem:$0x3FDB];
	_ =	sdelay $0x1  }
0x11: {  	s4 =	simm.s32 $_scs_section_size  }
0x12: {  	s5 =	simm.s32 $_size__tile_overlayer_lowered;
	s6 =	simm.s32 $_tile_overlayer_lowered  }
0x13: {  	s23 =	simm.s32 $0x1BFF;
	s22 =	sshll.u32 s6, $0x1;
	s3 =	sadd.s32 s4, s20  }
0x14: {  	s7 =	simm.s32 $0x0;
	s21 =	sshll.u32 s5, $0x1;
	s5 =	sadd.s32 s22, s3  }
0x15: {  	[timem:s7], [sflag:s23] =	dma.local [hbm:s5], s21  }
0x16: {  	_ =	swait.ge [sflag:s23], s21  }
0x17: {  	s4 =	ssub.s32 $0x0, s21;
	[sflag:s23] =	ssyncset.done $0x0  }
0x18: {  	[sflag:s23] =	ssyncadd.s32 s4;
	_ =	sdelay $0x1  }
0x19: {  	s24 =	simm.s32 $0x1B8B  }
0x1a: {  	_ =	swait.ge [sflag:s24], $0x1  }
0x1b: {  	[sflag:s24] =	ssyncset.done $0x0  }
0x1c: {  	s26 =	simm.s32 $0x1B8E;
	s25 =	sld [smem:$0x3FFE];
	[sflag:s24] =	ssyncadd.s32 $0xFFFFFFFF  }
0x1d: {  	s27 =	simm.s32 $execute0_lowered;
	[smem:$0x3FD2] =	sst s26  }
0x1e: {  	s5 =	sshll.u32 s27, $0x1;
	_ =	strace $0x80000046;
	[dreg:$0x1] =	wrdreg $0xFFFFFFFF  }
0x1f: {  	s28 =	simm.s32 $_size_execute0_lowered;
	s3 =	sadd.s32 s3, s5;
	[dreg:$0x0] =	wrdreg $0x0  }
0x20: {  	s5 =	sshll.u32 s28, $0x1;
	[dreg:$0x2] =	wrdreg s3  }
0x21: {  	[dreg:$0x3] =	wrdreg s5  }
0x22: {  	[dreg:$0x4] =	wrdreg $0xC0  }
0x23: {  	_ =	task [dreg:s7], $0x5FFFF  }
0x24: {  	[dreg:$0x1] =	wrdreg $0xFFFFFFFF  }
0x25: {  	[dreg:$0x0] =	wrdreg $0x60  }
0x26: {  	[dreg:$0x2] =	wrdreg s2  }
0x27: {  	[dreg:$0x3] =	wrdreg s25  }
0x28: {  	[dreg:$0x4] =	wrdreg $0x9  }
0x29: {  	_ =	task.clear_ibuf [dreg:s7], $0x5FFFF;
	_ =	strace $0x90000046  }
0x2a: {  	s29 =	simm.s32 $0x9;
	_ =	strace $0x80000048  }
0x2b: {  	_ =	swait.ge [sflag:s29], $0x1  }
0x2c: {  	[sflag:s29] =	ssyncadd.s32 $0xFFFFFFFF  }
0x2d: {  	_ =	strace $0x90000048  }
0x2e: {  	_ =	sfence  }
0x2f: {  	s30 =	sld [smem:$0x0];
	_ =	sdelay $0x2  }
0x30: {  	s31 =	sshll.u32 s1, $0xD;
	s1 =	sshrl.u32 s1, $0x2  }
0x31: {  	s3 =	sand.u32 $0x4000, s31;
	s1 =	sadd.s32 s1, s30  }
0x32: {  	s0 =	sor.u32 s3, s0;
	s1 =	sshll.u32 s1, $0x11  }
0x33: {  	s0 =	sor.u32 s1, s0  }
0x34: {  	s0 =	sadd.s32 $0x8F2B, s0  }
0x35: {  	[sflag:s0] =	ssyncadd.remote.s32 $0x1  }
0x36: {  	_ =	sfence.sel $0xFFFF  }
0x37: {  	[dreg:$0x0] =	wrdreg $0xFFFFFFFF;
	(pc) =	sbr.abs _section_cstart, $3  }
0x38: {  	[dreg:$0x1] =	wrdreg $0xFFFFFFFF  }
0x39: {  	_ =	task.clear_ibuf [dreg:s7], $0x2FFFF;
	_ =	strace $0x9FFFFFFF  }
0x3a: {  	(tm) =	ssettm $0x7FFFFFFF  }
0x3b: {  	_ =	shalt  }
tec
execute0_lowered:
.L_overlay_start_1:
0x0: {  	(tag) =	ssettag $0x1  }
0x1: {  	s0 =	srdreg.scid  }
0x2: {  	s1 =	sshll.u32 s0, $0x4  }
0x3: {  	s2 =	rddreg [dreg:$0x0];
	s0 =	stileid.u32;
	s1 =	sand.u32 $0x10, s1  }
0x4: {  	s4 =	rddreg [dreg:$0x1];
	s7 =	simm.s32 $0x1;
	s1 =	sor.u32 s0, s1  }
0x5: {  	s8 =	simm.s32 $0x2;
	s9 =	simm.s32 $0x0;
	s3 =	sshll.u32 s1, $0x2  }
0x6: {  	s12 =	simm.s32 $0x0;
	s11 =	simm.s32 $0x0;
	s6 =	ssub.s32 $0x2600, s3  }
.Ltmp0:
0x7: {  	s4 =	sadd.s32 $0x400, s4;
	s5 =	sand.u32 $0x7C, s6;
	(pc) =	sbr.rel .LBB1_1-.Ltmp0, $4  }
0x8: {  	s1 =	rddreg [dreg:$0x2];
	_ =	strace $0x80000047;
	p0 =	sne.s32 s5, $0x0  }
0x9: {  	s6 =	sshrl.u32 s6, $0x7;
	s5 =	simm.s32 $0x1;
	s7 =	simm.s32 @!p0 $0x0  }
0xa: {  	s10 =	smov.u32 s3;
	[sflag:s5] =	ssyncpa.u1 $0x0;
	s6 =	sadd.s32 s7, s6  }
0xb: {  	[sflag:s8] =	ssyncpa.u1 $0x0;
	s8 =	simm.s32 $0x0;
	s7 =	sadd.s32 $0x1, s6  }
.LBB1_9:
0xc: {  	s14 =	sadd.s32 $0x80, s10  }
0xd: {  	p1 =	sgt.s32 s14, $0x25FF  }
0xe: {  	s14 =	smov.u32 @p1 s3;
	p1 =	sne.s32 s11, s7  }
.Ltmp1:
0xf: {  	p0 =	slt.u32 s11, $0x2;
	(pc) =	sbr.rel @!p1 .LBB1_10-.Ltmp1, $4  }
0x10: {  	s13 =	simm.s32 @!p0 $0x2  }
0x11: {  	s15 =	sadd.s32 $0x1, s11;
	_ =	swait.ge @!p0 [sflag:s13], $0x4000  }
0x12: {  	s12 =	smov.u32 s10;
	s9 =	sadd.s32 $0x4000, s9;
	[sflag:s13] =	ssyncset.done @!p0 $0x0  }
0x13: {  	s11 =	smov.u32 s15;
	s10 =	smov.u32 s14;
	[sflag:s13] =	ssyncadd.s32 @!p0 $0xFFFFC000  }
.LBB1_1:
0x14: {  	p0 =	sge.u32 s11, s6  }
0x15: {  	s13 =	sxor.u32 @!p0 $0xFFFFFFFF, s11  }
0x16: {  	s31 =	sadd.s32 $0xFFFFFFFF, s11;
	s14 =	sshll.u32 @!p0 s10, $0x9;
	s13 =	sshll.u32 @!p0 s13, $0xE  }
0x17: {  	s15 =	simm.s32 @!p0 $0x0;
	s14 =	sadd.s32 @!p0 s2, s14;
	s13 =	sand.u32 @!p0 $0x4000, s13  }
0x18: {  	[tilespmem:s13], [sflag:$0x1] =	stream.linear.gather @!p0 [hbm4b:s14+s15], $0x4000, $0x38;
	[tilespmem:$0x10000] =	vst v63  }
0x19: {  	p0 =	sge.u32 s31, s6  }
.Ltmp2:
0x1a: {  	_ = 	snop;
	(pc) =	sbr.rel @p0 .LBB1_9-.Ltmp2, $1  }
0x1b: {  	_ =	sdelay $0x3  }
0x1c: {  	s14 =	sand.u32 $0x4000, s9  }
0x1d: {  	_ =	swait.ge [sflag:s5], $0x4000;
	s15 =	sshll.u32 s11, $0xE;
	s16 =	simm.s32 $0x0  }
0x1e: {  	s13 =	sor.u32 $0x40, s14;
	[sflag:s5] =	ssyncset.done $0x0;
	s15 =	sand.u32 $0x4000, s15  }
0x1f: {  	s14 =	sor.u32 $0x8040, s14;
	[sflag:s5] =	ssyncadd.s32 $0xFFFFC000;
	s15 =	sor.u32 $0x8000, s15  }
.LBB1_3:
0x20: {  	s17 =	smov.u32 s14;
	s18 =	smov.u32 s13;
	s19 =	simm.s32 $0x0  }
.LBB1_4:
0x21: {  	v0 =	vmov s17;
	v2 =	vld [tilespmem:s18+$0x30]  }
0x22: {  	v4 =	vld [tilespmem:s18+$0xFFFFFFD0]  }
0x23: {  	v6 =	vld [tilespmem:s18+$0xFFFFFFE0]  }
0x24: {  	v7 =	vld [tilespmem:s18+$0xFFFFFFF0]  }
0x25: {  	s20 =	simm.s32 $0x0;
	v1 =	vld [tilespmem:s18+$0x0]  }
0x26: {  	v3 =	vld [tilespmem:s18+$0x10];
	[tilespmem:v0+s20+$0x30 ss:$0x1] =	vst.idx.msk $0xffff, v2  }
0x27: {  	v5 =	vld [tilespmem:s18+$0x20];
	[tilespmem:v0+s20+$0xFFFFFFD0 ss:$0x1] =	vst.idx.msk $0xffff, v4  }
0x28: {  	s21 =	sadd.s32 $0x80, s18;
	v2 =	vld [tilespmem:s18+$0xFFFFFFC0];
	[tilespmem:v0+s20+$0xFFFFFFE0 ss:$0x1] =	vst.idx.msk $0xffff, v6  }
0x29: {  	s22 =	simm.s32 $0x800;
	s23 =	simm.s32 $0x1000;
	v4 =	vld [tilespmem:s21+$0x30];
	[tilespmem:v0+s20+$0xFFFFFFF0 ss:$0x1] =	vst.idx.msk $0xffff, v7  }
.LBB1_5:
0x2a: {  	p0 =	sne.s32 s23, $0x3800;
	v6 =	vld [tilespmem:s21+$0xFFFFFFD0];
	[tilespmem:v0+s20+$0x0 ss:$0x1] =	vst.idx.msk $0xffff, v1  }
0x2b: {  	v7 =	vld [tilespmem:s21+$0xFFFFFFE0];
	[tilespmem:v0+s20+$0x10 ss:$0x1] =	vst.idx.msk $0xffff, v3  }
0x2c: {  	v8 =	vld [tilespmem:s21+$0xFFFFFFF0];
	[tilespmem:v0+s20+$0x20 ss:$0x1] =	vst.idx.msk $0xffff, v5  }
.Ltmp3:
0x2d: {  	v1 =	vld [tilespmem:s21+$0x0];
	[tilespmem:v0+s20+$0xFFFFFFC0 ss:$0x1] =	vst.idx.msk $0xffff, v2;
	s20 =	sshra.s32 s22, $0x2;
	s22 =	smov.u32 s23;
	(pc) =	sbr.rel @p0 .LBB1_5-.Ltmp3, $4  }
0x2e: {  	v3 =	vld [tilespmem:s21+$0x10];
	[tilespmem:v0+s20+$0x30 ss:$0x1] =	vst.idx.msk $0xffff, v4  }
0x2f: {  	[tilespmem:v0+s20+$0xFFFFFFD0 ss:$0x1] =	vst.idx.msk $0xffff, v6;
	v5 =	vld [tilespmem:s21+$0x20]  }
0x30: {  	v2 =	vld [tilespmem:s21+$0xFFFFFFC0];
	[tilespmem:v0+s20+$0xFFFFFFE0 ss:$0x1] =	vst.idx.msk $0xffff, v7;
	s21 =	sadd.s32 $0x80, s21  }
0x31: {  	s23 =	sadd.s32 $0x800, s23;
	v4 =	vld [tilespmem:s21+$0x30];
	[tilespmem:v0+s20+$0xFFFFFFF0 ss:$0x1] =	vst.idx.msk $0xffff, v8  }
0x32: {  	_ =	sdelay $0x3  }
0x33: {  	v6 =	vld [tilespmem:s21+$0xFFFFFFD0];
	[tilespmem:v0+s20+$0x0 ss:$0x1] =	vst.idx.msk $0xffff, v1  }
0x34: {  	v58 =	vld [tilespmem:s21+$0xFFFFFFE0];
	[tilespmem:v0+s20+$0x10 ss:$0x1] =	vst.idx.msk $0xffff, v3  }
0x35: {  	v59 =	vld [tilespmem:s21+$0xFFFFFFF0];
	[tilespmem:v0+s20+$0x20 ss:$0x1] =	vst.idx.msk $0xffff, v5  }
0x36: {  	s22 =	sshra.s32 s22, $0x2;
	v60 =	vld [tilespmem:s21+$0x0];
	[tilespmem:v0+s20+$0xFFFFFFC0 ss:$0x1] =	vst.idx.msk $0xffff, v2  }
0x37: {  	v61 =	vld [tilespmem:s21+$0x10];
	[tilespmem:v0+s22+$0x30 ss:$0x1] =	vst.idx.msk $0xffff, v4  }
0x38: {  	v62 =	vld [tilespmem:s21+$0x20];
	s19 =	sadd.s32 $0x1, s19;
	[tilespmem:v0+s22+$0xFFFFFFD0 ss:$0x1] =	vst.idx.msk $0xffff, v6  }
0x39: {  	v63 =	vld [tilespmem:s21+$0xFFFFFFC0];
	p0 =	sne.s32 s19, $0x4;
	[tilespmem:v0+s22+$0xFFFFFFE0 ss:$0x1] =	vst.idx.msk $0xffff, v58  }
.Ltmp4:
0x3a: {  	[tilespmem:v0+s22+$0xFFFFFFF0 ss:$0x1] =	vst.idx.msk $0xffff, v59;
	(pc) =	sbr.rel @p0 .LBB1_4-.Ltmp4, $4  }
0x3b: {  	[tilespmem:v0+s22+$0x0 ss:$0x1] =	vst.idx.msk $0xffff, v60  }
0x3c: {  	[tilespmem:v0+s22+$0x10 ss:$0x1] =	vst.idx.msk $0xffff, v61  }
0x3d: {  	[tilespmem:v0+s22+$0x20 ss:$0x1] =	vst.idx.msk $0xffff, v62  }
0x3e: {  	s18 =	sadd.s32 $0x400, s18;
	s17 =	sadd.s32 $0x80, s17;
	[tilespmem:v0+s22+$0xFFFFFFC0 ss:$0x1] =	vst.idx.msk $0xffff, v63  }
0x3f: {  	s16 =	sadd.s32 $0x1, s16  }
0x40: {  	p0 =	sne.s32 s16, $0x4  }
.Ltmp5:
0x41: {  	_ = 	snop;
	(pc) =	sbr.rel @p0 .LBB1_3-.Ltmp5, $2  }
0x42: {  	_ =	sdelay $0x2  }
0x43: {  	s13 =	sadd.s32 $0x1000, s13;
	s14 =	sadd.s32 $0x1000, s14  }
.Ltmp6:
0x44: {  	(pc) =	sbr.rel .LBB1_9-.Ltmp6, $4  }
0x45: {  	_ = 	snop  }
0x46: {  	s12 =	sshll.u32 s12, $0x9  }
0x47: {  	s12 =	sadd.s32 s4, s12  }
0x48: {  	[hbm4b:s12+s8] =	stream.linear.scatter [tilespmem:s15], [sflag:$0x2], $0x4000, $0x38;
	[tilespmem:$0x10000] =	vst v63  }
.LBB1_10:
0x49: {  	_ =	sfence.sel $0x180000  }
0x4a: {  	s2 =	simm.s32 $0x1;
	[bflag:$0x0] =	sbarrier.arrive $0xFFFF  }
0x4b: {  	s31 =	simm.s32 $0x2;
	[sflag:s2] =	ssyncpa.u1 $0x1  }
0x4c: {  	[sflag:s31] =	ssyncpa.u1 $0x1  }
0x4d: {  	p0 =	sne.s32 s0, $0x0;
	_ =	strace $0x90000047  }
0x4e: {  	s0 =	sadd.s32 @!p0 $0x100000, s1;
	[bflag:$0x2] =	sbarrier.arrive $0xFFFF  }
0x4f: {  	[sflag:s0] =	ssyncadd.tile.s32 @!p0 $0x1;
	_ =	shalt  }
.Lfunc_end1:
_tile_overlayer_lowered:
.L_overlay_start_2:
0x50: {  	(tag) =	ssettag $0x2  }
0x51: {  	s0 =	rddreg [dreg:$0x0];
	s2 =	stileid.u32  }
0x52: {  	s1 =	rddreg [dreg:$0x1];
	p0 =	sne.s32 s2, $0x0  }
0x53: {  	s3 =	rddreg [dreg:$0x2];
	[bflag:$0x3] =	sbarrier.arrive $0xFFFF;
	s2 =	simm.s32 @!p0 $0x1C01  }
0x54: {  	[timem:s3], [sflag:s2] =	dma.local @!p0 [hbm:s0], s1  }
0x55: {  	s0 =	simm.s32 @!p0 $0x1  }
0x56: {  	_ =	swait.ge @!p0 [sflag:s0], s1  }
0x57: {  	s1 =	ssub.s32 @!p0 $0x0, s1;
	[sflag:s0] =	ssyncset.done @!p0 $0x0  }
0x58: {  	[sflag:s0] =	ssyncadd.s32 @!p0 s1  }
0x59: {  	[bflag:$0x3] =	sbarrier.arrive $0xFFFF  }
0x5a: {  	_ =	shalt  }

</sc_bundles>
